<compile_context>
chip_gen: v7x
topology: tpu7x:2x2x1
jax: 0.10.2.dev20260603
libtpu: 0.0.44.dev20260713+nightly
codegen_flags: <defaults>
</compile_context>

<pallas_src>
import dataclasses
import functools

import jax
import jax.numpy as jnp
from jax import lax
from jax.experimental import pallas as pl
from jax.experimental.pallas import tpu as pltpu
from jax.experimental.pallas import tpu_sc as plsc

N_NODES = 10000
N_EDGES = 320000
NC = 2
NS = 16
NW = NC * NS
EPW = N_EDGES // NW
CH_H = 80
NFULL_H = EPW // CH_H
TAIL_H = EPW - NFULL_H * CH_H
CH_S = 80
NFULL_S = EPW // CH_S
TAIL_S = EPW - NFULL_S * CH_S
N_PAD = 10112
RPS = N_PAD // NS


def _sc_mesh():
    return plsc.VectorSubcoreMesh(core_axis_name="c", subcore_axis_name="s")


def _sc_degree_histogram(dst):

    cp = pltpu.CompilerParams()
    if "needs_layout_passes" in pltpu.CompilerParams.__dataclass_fields__:
        cp = dataclasses.replace(cp, needs_layout_passes=False)

    @functools.partial(
        pl.kernel,
        out_type=jax.ShapeDtypeStruct((NW * N_NODES,), jnp.float32),
        mesh=_sc_mesh(),
        compiler_params=cp,
        scratch_types=[
            pltpu.VMEM((EPW,), jnp.int32),
            pltpu.VMEM((N_NODES,), jnp.float32),
            pltpu.SemaphoreType.DMA,
        ],
    )
    def hist(dst_hbm, out_hbm, idx, cnt, sem):
        c = lax.axis_index("c")
        s = lax.axis_index("s")
        w = c * NS + s
        base = w * EPW
        zero16 = jnp.zeros((16,), jnp.float32)
        one16 = jnp.ones((16,), jnp.float32)

        pltpu.async_copy(dst_hbm.at[pl.ds(base, EPW)], idx, sem)

        @pl.loop(0, N_NODES // 16)
        def _(i):
            cnt[pl.ds(i * 16, 16)] = zero16

        pltpu.make_async_copy(dst_hbm.at[pl.ds(base, EPW)], idx, sem).wait()

        @pl.loop(0, EPW // 64)
        def _(e):
            for j in range(4):
                plsc.addupdate_scatter(
                    cnt, [idx[pl.ds(e * 64 + j * 16, 16)]], one16)

        pltpu.sync_copy(cnt, out_hbm.at[pl.ds(w * N_NODES, N_NODES)])

    return hist(dst)


def _sc_scatter_rows(g, src, dst, zeros):
    d = g.shape[1]

    @functools.partial(
        pl.kernel,
        out_type=jax.ShapeDtypeStruct((NC, N_PAD, d), jnp.float32),
        mesh=_sc_mesh(),
        compiler_params=pltpu.CompilerParams(use_tc_tiling_on_sc=False) if d == 64 else None,
        scratch_types=[
            pltpu.VMEM((CH_S,), jnp.int32),
            pltpu.VMEM((CH_S,), jnp.int32),
            pltpu.VMEM((CH_S,), jnp.int32),
            pltpu.VMEM((CH_S,), jnp.int32),
            pltpu.VMEM((CH_S, d), jnp.float32),
            pltpu.VMEM((CH_S, d), jnp.float32),
            pltpu.VMEM_SHARED((N_PAD, d), jnp.float32),
            pltpu.SemaphoreType.DMA,
            pltpu.SemaphoreType.DMA,
            pltpu.SemaphoreType.DMA,
            pltpu.SemaphoreType.DMA,
        ],
    )
    def scat(g_hbm, src_hbm, dst_hbm, z_hbm, out_hbm,
             sa_v, sb_v, da, db, rows_a, rows_b, acc_sh,
             sem_a, sem_b, isem_a, isem_b):
        c = lax.axis_index("c")
        s = lax.axis_index("s")
        w = c * NS + s
        base = w * EPW
        row0 = s * RPS
        pltpu.sync_copy(z_hbm.at[pl.ds(row0, RPS)], acc_sh.at[pl.ds(row0, RPS)])
        plsc.subcore_barrier()

        def start_idx(k, sbuf, dbuf, isem):
            pltpu.async_copy(src_hbm.at[pl.ds(base + k * CH_S, CH_S)], sbuf, isem)
            pltpu.async_copy(dst_hbm.at[pl.ds(base + k * CH_S, CH_S)], dbuf, isem)

        def start_gather(k, sbuf, dbuf, buf, isem, sem):
            pltpu.make_async_copy(src_hbm.at[pl.ds(base + k * CH_S, CH_S)], sbuf, isem).wait()
            pltpu.make_async_copy(dst_hbm.at[pl.ds(base + k * CH_S, CH_S)], dbuf, isem).wait()
            pltpu.async_copy(g_hbm.at[sbuf], buf, sem)

        def finish(k, dbuf, buf, sem):
            pltpu.make_async_copy(g_hbm.at[dbuf], buf, sem).wait()
            pltpu.sync_copy(buf, acc_sh.at[dbuf], add=True)

        start_idx(0, sa_v, da, isem_a)
        start_gather(0, sa_v, da, rows_a, isem_a, sem_a)

        @pl.loop(0, NFULL_S - 1, step=2)
        def _(k):
            start_idx(k + 1, sb_v, db, isem_b)
            start_gather(k + 1, sb_v, db, rows_b, isem_b, sem_b)
            finish(k, da, rows_a, sem_a)
            start_idx(k + 2, sa_v, da, isem_a)
            start_gather(k + 2, sa_v, da, rows_a, isem_a, sem_a)
            finish(k + 1, db, rows_b, sem_b)

        finish(NFULL_S - 1, da, rows_a, sem_a)

        plsc.subcore_barrier()
        pltpu.sync_copy(acc_sh.at[pl.ds(row0, RPS)],
                        out_hbm.at[c, pl.ds(row0, RPS)])

    return scat(g, src, dst, zeros)


def _tc_matmul(a, w):
    m, n = a.shape[0], w.shape[1]

    def body(a_ref, w_ref, o_ref):
        o_ref[...] = lax.dot_general(
            a_ref[...], w_ref[...], (((1,), (0,)), ((), ())),
            preferred_element_type=jnp.float32,
            precision=lax.Precision.HIGHEST)

    return pl.pallas_call(
        body, out_shape=jax.ShapeDtypeStruct((m, n), jnp.float32))(a, w)


def _tc_scale(h, parts):

    def body(h_ref, p_ref, o_ref, dinv_ref):
        deg = jnp.sum(p_ref[...], axis=0)[:, None] + 1.0
        dinv = 1.0 / jnp.sqrt(deg)
        dinv_ref[...] = dinv
        o_ref[...] = h_ref[...] * dinv

    return pl.pallas_call(
        body, out_shape=[jax.ShapeDtypeStruct(h.shape, jnp.float32),
                         jax.ShapeDtypeStruct((h.shape[0], 1), jnp.float32)])(h, parts)


def _tc_mid(p0, p1, g1, dinv, w2, b1):
    m, n = g1.shape[0], w2.shape[1]

    def body(p0_ref, p1_ref, g1_ref, dinv_ref, w_ref, bias_ref, o_ref):
        dinv = dinv_ref[...]
        h = (p0_ref[...] + p1_ref[...] + g1_ref[...]) * dinv + bias_ref[...]
        h = jnp.maximum(h, 0.0)
        o_ref[...] = lax.dot_general(
            h, w_ref[...], (((1,), (0,)), ((), ())),
            preferred_element_type=jnp.float32,
            precision=lax.Precision.HIGHEST) * dinv

    return pl.pallas_call(
        body, out_shape=jax.ShapeDtypeStruct((m, n), jnp.float32))(
            p0, p1, g1, dinv, w2, b1)


def _tc_final(q0, q1, g2, dinv, b2):
    def body(q0_ref, q1_ref, g2_ref, dinv_ref, bias_ref, o_ref):
        z = (q0_ref[...] + q1_ref[...] + g2_ref[...]) * dinv_ref[...] + bias_ref[...]
        zm = z - jnp.max(z, axis=1, keepdims=True)
        o_ref[...] = zm - jnp.log(jnp.sum(jnp.exp(zm), axis=1, keepdims=True))

    return pl.pallas_call(
        body, out_shape=jax.ShapeDtypeStruct(g2.shape, jnp.float32))(
            q0, q1, g2, dinv, b2)


def kernel(x, edge_index, W1, b1, W2, b2):
    src = edge_index[0]
    dst = edge_index[1]
    zeros128 = jnp.zeros((N_PAD, 128), jnp.float32)
    zeros64 = jnp.zeros((N_PAD, 64), jnp.float32)

    parts = _sc_degree_histogram(dst).reshape(NW, N_NODES)
    hraw = _tc_matmul(x, W1)
    g1, dinv = _tc_scale(hraw, parts)
    p = _sc_scatter_rows(g1, src, dst, zeros128)
    g2 = _tc_mid(p[0, :N_NODES], p[1, :N_NODES], g1, dinv, W2, b1.reshape(1, -1))
    q = _sc_scatter_rows(g2, src, dst, zeros64)
    return _tc_final(q[0, :N_NODES], q[1, :N_NODES], g2, dinv, b2.reshape(1, -1))

# --- scband reference (transcript-rebuilt; emitter-appended) ---
"""Pipeline reference for scband-student-gnn-6597069766804 (READ-ONLY COPY).

The authoritative reference and input builder live on the scoring server;
editing this copy changes nothing except your own understanding.
"""

import jax, jax.numpy as jnp
import numpy as np

N_NODES = 10000
N_EDGES = 320000
IN_CH = 128
HID_CH = 128
OUT_CH = 64


def gcn_conv(x, edge_index, W, b):
    # PyG GCNConv semantics: add self-loops, symmetric normalization D^-1/2 A_hat D^-1/2, then X W + b
    n = x.shape[0]
    loop = jnp.arange(n, dtype=edge_index.dtype)
    src = jnp.concatenate([edge_index[0], loop])
    dst = jnp.concatenate([edge_index[1], loop])
    deg = jnp.zeros((n,), x.dtype).at[dst].add(1.0)
    deg_inv_sqrt = jnp.where(deg > 0, 1.0 / jnp.sqrt(deg), 0.0)
    norm = deg_inv_sqrt[src] * deg_inv_sqrt[dst]
    h = x @ W
    msg = h[src] * norm[:, None]
    out = jnp.zeros((n, W.shape[1]), x.dtype).at[dst].add(msg)
    return out + b


def setup_inputs(seed: int = 0) -> dict:
    key = jax.random.key(seed)
    k1, k2, k3, k4 = jax.random.split(key, 4)
    x = jax.random.normal(k1, (N_NODES, IN_CH), dtype=jnp.float32)
    edge_index = jax.random.randint(k2, (2, N_EDGES), 0, N_NODES, dtype=jnp.int32)
    W1 = jax.random.normal(k3, (IN_CH, HID_CH), dtype=jnp.float32) * (1.0 / np.sqrt(IN_CH))
    b1 = jnp.zeros((HID_CH,), dtype=jnp.float32)
    W2 = jax.random.normal(k4, (HID_CH, OUT_CH), dtype=jnp.float32) * (1.0 / np.sqrt(HID_CH))
    b2 = jnp.zeros((OUT_CH,), dtype=jnp.float32)
    return {"x": x, "edge_index": edge_index, "W1": W1, "b1": b1, "W2": W2, "b2": b2}


def reference(x, edge_index, W1, b1, W2, b2):
    h = jax.nn.relu(gcn_conv(x, edge_index, W1, b1))
    h = gcn_conv(h, edge_index, W2, b2)
    return jax.nn.log_softmax(h, axis=1)

if __name__ == "__main__":
    import jax
    _d = setup_inputs()
    print(jax.jit(kernel)(*tuple(_d.values())))

</pallas_src>

<mosaic_0001>
#map = affine_map<(d0, d1) -> (0, 0)>
#map1 = affine_map<(d0, d1) -> (0)>
#map2 = affine_map<(d0, d1) -> (0, 0, 0)>
module attributes {stable_mosaic.version = 14 : i64} {
  func.func @scat(%arg0: i32, %arg1: i32, %arg2: memref<10000x128xf32, #tpu.memory_space<hbm>>, %arg3: memref<320000xi32, #tpu.memory_space<hbm>>, %arg4: memref<320000xi32, #tpu.memory_space<hbm>>, %arg5: memref<10112x128xf32, #tpu.memory_space<hbm>>, %arg6: memref<2x10112x128xf32, #tpu.memory_space<hbm>>, %arg7: memref<80xi32, #tpu.memory_space<vmem>>, %arg8: memref<80xi32, #tpu.memory_space<vmem>>, %arg9: memref<80xi32, #tpu.memory_space<vmem>>, %arg10: memref<80xi32, #tpu.memory_space<vmem>>, %arg11: memref<80x128xf32, #tpu.memory_space<vmem>>, %arg12: memref<80x128xf32, #tpu.memory_space<vmem>>, %arg13: memref<10112x128xf32, #tpu.memory_space<vmem_shared>>, %arg14: memref<!tpu.dma_semaphore, #tpu.memory_space<semaphore_mem>>, %arg15: memref<!tpu.dma_semaphore, #tpu.memory_space<semaphore_mem>>, %arg16: memref<!tpu.dma_semaphore, #tpu.memory_space<semaphore_mem>>, %arg17: memref<!tpu.dma_semaphore, #tpu.memory_space<semaphore_mem>>) attributes {dimension_semantics = [#tpu.dimension_semantics<core_parallel>, #tpu.dimension_semantics<subcore_parallel>], iteration_bounds = array<i64: 2, 16>, scalar_prefetch = 0 : i64, scratch_operands = 11 : i64, tpu.core_type = #tpu.core_type<sc_vector_subcore>, window_params = [{transform_indices = #map}, {transform_indices = #map1}, {transform_indices = #map1}, {transform_indices = #map}, {transform_indices = #map2}]} {
    %mul3A = arith.constant 16 : i32
    %mul3A_0 = arith.muli %arg0, %mul3A : i32
    %add3A = arith.addi %mul3A_0, %arg1 : i32
    %mul3A_1 = arith.constant 10000 : i32
    %mul3A_2 = arith.muli %add3A, %mul3A_1 : i32
    %mul3A_3 = arith.constant 632 : i32
    %mul3A_4 = arith.muli %arg1, %mul3A_3 : i32
    "tpu.region"() ({
      %run_scoped3A = tpu.sem_alloc : memref<!tpu.dma_semaphore, #tpu.memory_space<semaphore_mem>>
      %dma_start3A_30 = arith.constant 0 : i32
      %dma_start3A_31 = tpu.memref_slice %arg13[%mul3A_4, %dma_start3A_30] : memref<10112x128xf32, #tpu.memory_space<vmem_shared>> -> memref<632x128xf32, #tpu.memory_space<vmem_shared>>
      %dma_start3A_32 = arith.constant 0 : i32
      %dma_start3A_33 = tpu.memref_slice %arg5[%mul3A_4, %dma_start3A_32] : memref<10112x128xf32, #tpu.memory_space<hbm>> -> memref<632x128xf32, #tpu.memory_space<hbm>>
      tpu.enqueue_dma source(%dma_start3A_33 : memref<632x128xf32, #tpu.memory_space<hbm>>) target(%dma_start3A_31 : memref<632x128xf32, #tpu.memory_space<vmem_shared>>) target_semaphore(%run_scoped3A : memref<!tpu.dma_semaphore, #tpu.memory_space<semaphore_mem>>)
      %dma_wait3A_34 = arith.constant 0 : i32
      %dma_wait3A_35 = tpu.memref_slice %arg13[%mul3A_4, %dma_wait3A_34] : memref<10112x128xf32, #tpu.memory_space<vmem_shared>> -> memref<632x128xf32, #tpu.memory_space<vmem_shared>>
      %dma_wait3A_36 = arith.constant 0 : i32
      %dma_wait3A_37 = tpu.memref_slice %arg5[%mul3A_4, %dma_wait3A_36] : memref<10112x128xf32, #tpu.memory_space<hbm>> -> memref<632x128xf32, #tpu.memory_space<hbm>>
      tpu.wait_dma2 semaphore(%run_scoped3A : memref<!tpu.dma_semaphore, #tpu.memory_space<semaphore_mem>>) src(%dma_wait3A_37 : memref<632x128xf32, #tpu.memory_space<hbm>>) dst(%dma_wait3A_35 : memref<632x128xf32, #tpu.memory_space<vmem_shared>>)
      tpu.yield
    }) : () -> ()
    %barrier3A = arith.constant 0 : index
    tpu.barrier barrier_id(%barrier3A)
    %add3A_5 = arith.constant 0 : i32
    %add3A_6 = arith.addi %mul3A_2, %add3A_5 : i32
    %dma_start3A = tpu.memref_slice %arg3[%add3A_6] : memref<320000xi32, #tpu.memory_space<hbm>> -> memref<80xi32, #tpu.memory_space<hbm>>
    %dma_start3A_7 = tpu.memref_slice %arg3[%add3A_6] : memref<320000xi32, #tpu.memory_space<hbm>> -> memref<80xi32, #tpu.memory_space<hbm>>
    tpu.enqueue_dma source(%dma_start3A_7 : memref<80xi32, #tpu.memory_space<hbm>>) target(%arg7 : memref<80xi32, #tpu.memory_space<vmem>>) target_semaphore(%arg16 : memref<!tpu.dma_semaphore, #tpu.memory_space<semaphore_mem>>)
    %add3A_8 = arith.constant 0 : i32
    %add3A_9 = arith.addi %mul3A_2, %add3A_8 : i32
    %dma_start3A_10 = tpu.memref_slice %arg4[%add3A_9] : memref<320000xi32, #tpu.memory_space<hbm>> -> memref<80xi32, #tpu.memory_space<hbm>>
    %dma_start3A_11 = tpu.memref_slice %arg4[%add3A_9] : memref<320000xi32, #tpu.memory_space<hbm>> -> memref<80xi32, #tpu.memory_space<hbm>>
    tpu.enqueue_dma source(%dma_start3A_11 : memref<80xi32, #tpu.memory_space<hbm>>) target(%arg9 : memref<80xi32, #tpu.memory_space<vmem>>) target_semaphore(%arg16 : memref<!tpu.dma_semaphore, #tpu.memory_space<semaphore_mem>>)
    %add3A_12 = arith.constant 0 : i32
    %add3A_13 = arith.addi %mul3A_2, %add3A_12 : i32
    %dma_wait3A = tpu.memref_slice %arg3[%add3A_13] : memref<320000xi32, #tpu.memory_space<hbm>> -> memref<80xi32, #tpu.memory_space<hbm>>
    %dma_wait3A_14 = tpu.memref_slice %arg3[%add3A_13] : memref<320000xi32, #tpu.memory_space<hbm>> -> memref<80xi32, #tpu.memory_space<hbm>>
    tpu.wait_dma2 semaphore(%arg16 : memref<!tpu.dma_semaphore, #tpu.memory_space<semaphore_mem>>) src(%dma_wait3A_14 : memref<80xi32, #tpu.memory_space<hbm>>) dst(%arg7 : memref<80xi32, #tpu.memory_space<vmem>>)
    %add3A_15 = arith.constant 0 : i32
    %add3A_16 = arith.addi %mul3A_2, %add3A_15 : i32
    %dma_wait3A_17 = tpu.memref_slice %arg4[%add3A_16] : memref<320000xi32, #tpu.memory_space<hbm>> -> memref<80xi32, #tpu.memory_space<hbm>>
    %dma_wait3A_18 = tpu.memref_slice %arg4[%add3A_16] : memref<320000xi32, #tpu.memory_space<hbm>> -> memref<80xi32, #tpu.memory_space<hbm>>
    tpu.wait_dma2 semaphore(%arg16 : memref<!tpu.dma_semaphore, #tpu.memory_space<semaphore_mem>>) src(%dma_wait3A_18 : memref<80xi32, #tpu.memory_space<hbm>>) dst(%arg9 : memref<80xi32, #tpu.memory_space<vmem>>)
    %dma_start3A_19 = arith.constant 0 : i32
    %dma_start3A_20 = arith.constant 0 : i32
    %dma_start3A_21 = tpu.memref_slice %arg2[%dma_start3A_19, %dma_start3A_20] : memref<10000x128xf32, #tpu.memory_space<hbm>> -> memref<10000x128xf32, #tpu.memory_space<hbm>>
    tpu.enqueue_indirect_dma source(%dma_start3A_21 : memref<10000x128xf32, #tpu.memory_space<hbm>>) target(%arg11 : memref<80x128xf32, #tpu.memory_space<vmem>>) offsets(%arg7 : memref<80xi32, #tpu.memory_space<vmem>>) semaphore(%arg14 : memref<!tpu.dma_semaphore, #tpu.memory_space<semaphore_mem>>)
    %scan3A = arith.constant 0 : i32
    %scan3A_22 = arith.constant 62 : i32
    %scan3A_23 = arith.addi %scan3A, %scan3A_22 : i32
    %scan3A_24 = arith.constant 1 : i32
    scf.for %scan3A_30 = %scan3A to %scan3A_23 step %scan3A_24  : i32 {
      %mul3A_31 = arith.constant 2 : i32
      %mul3A_32 = arith.muli %scan3A_30, %mul3A_31 : i32
      %add3A_33 = arith.constant 0 : i32
      %add3A_34 = arith.addi %add3A_33, %mul3A_32 : i32
      %add3A_35 = arith.constant 1 : i32
      %add3A_36 = arith.addi %add3A_34, %add3A_35 : i32
      %mul3A_37 = arith.constant 80 : i32
      %mul3A_38 = arith.muli %add3A_36, %mul3A_37 : i32
      %add3A_39 = arith.addi %mul3A_2, %mul3A_38 : i32
      %dma_start3A_40 = tpu.memref_slice %arg3[%add3A_39] : memref<320000xi32, #tpu.memory_space<hbm>> -> memref<80xi32, #tpu.memory_space<hbm>>
      %dma_start3A_41 = tpu.memref_slice %arg3[%add3A_39] : memref<320000xi32, #tpu.memory_space<hbm>> -> memref<80xi32, #tpu.memory_space<hbm>>
      tpu.enqueue_dma source(%dma_start3A_41 : memref<80xi32, #tpu.memory_space<hbm>>) target(%arg8 : memref<80xi32, #tpu.memory_space<vmem>>) target_semaphore(%arg17 : memref<!tpu.dma_semaphore, #tpu.memory_space<semaphore_mem>>)
      %mul3A_42 = arith.constant 80 : i32
      %mul3A_43 = arith.muli %add3A_36, %mul3A_42 : i32
      %add3A_44 = arith.addi %mul3A_2, %mul3A_43 : i32
      %dma_start3A_45 = tpu.memref_slice %arg4[%add3A_44] : memref<320000xi32, #tpu.memory_space<hbm>> -> memref<80xi32, #tpu.memory_space<hbm>>
      %dma_start3A_46 = tpu.memref_slice %arg4[%add3A_44] : memref<320000xi32, #tpu.memory_space<hbm>> -> memref<80xi32, #tpu.memory_space<hbm>>
      tpu.enqueue_dma source(%dma_start3A_46 : memref<80xi32, #tpu.memory_space<hbm>>) target(%arg10 : memref<80xi32, #tpu.memory_space<vmem>>) target_semaphore(%arg17 : memref<!tpu.dma_semaphore, #tpu.memory_space<semaphore_mem>>)
      %add3A_47 = arith.constant 1 : i32
      %add3A_48 = arith.addi %add3A_34, %add3A_47 : i32
      %mul3A_49 = arith.constant 80 : i32
      %mul3A_50 = arith.muli %add3A_48, %mul3A_49 : i32
      %add3A_51 = arith.addi %mul3A_2, %mul3A_50 : i32
      %dma_wait3A_52 = tpu.memref_slice %arg3[%add3A_51] : memref<320000xi32, #tpu.memory_space<hbm>> -> memref<80xi32, #tpu.memory_space<hbm>>
      %dma_wait3A_53 = tpu.memref_slice %arg3[%add3A_51] : memref<320000xi32, #tpu.memory_space<hbm>> -> memref<80xi32, #tpu.memory_space<hbm>>
      tpu.wait_dma2 semaphore(%arg17 : memref<!tpu.dma_semaphore, #tpu.memory_space<semaphore_mem>>) src(%dma_wait3A_53 : memref<80xi32, #tpu.memory_space<hbm>>) dst(%arg8 : memref<80xi32, #tpu.memory_space<vmem>>)
      %mul3A_54 = arith.constant 80 : i32
      %mul3A_55 = arith.muli %add3A_48, %mul3A_54 : i32
      %add3A_56 = arith.addi %mul3A_2, %mul3A_55 : i32
      %dma_wait3A_57 = tpu.memref_slice %arg4[%add3A_56] : memref<320000xi32, #tpu.memory_space<hbm>> -> memref<80xi32, #tpu.memory_space<hbm>>
      %dma_wait3A_58 = tpu.memref_slice %arg4[%add3A_56] : memref<320000xi32, #tpu.memory_space<hbm>> -> memref<80xi32, #tpu.memory_space<hbm>>
      tpu.wait_dma2 semaphore(%arg17 : memref<!tpu.dma_semaphore, #tpu.memory_space<semaphore_mem>>) src(%dma_wait3A_58 : memref<80xi32, #tpu.memory_space<hbm>>) dst(%arg10 : memref<80xi32, #tpu.memory_space<vmem>>)
      %dma_start3A_59 = arith.constant 0 : i32
      %dma_start3A_60 = arith.constant 0 : i32
      %dma_start3A_61 = tpu.memref_slice %arg2[%dma_start3A_59, %dma_start3A_60] : memref<10000x128xf32, #tpu.memory_space<hbm>> -> memref<10000x128xf32, #tpu.memory_space<hbm>>
      tpu.enqueue_indirect_dma source(%dma_start3A_61 : memref<10000x128xf32, #tpu.memory_space<hbm>>) target(%arg12 : memref<80x128xf32, #tpu.memory_space<vmem>>) offsets(%arg8 : memref<80xi32, #tpu.memory_space<vmem>>) semaphore(%arg15 : memref<!tpu.dma_semaphore, #tpu.memory_space<semaphore_mem>>)
      %dma_wait3A_62 = arith.constant 0 : i32
      %dma_wait3A_63 = arith.constant 0 : i32
      %dma_wait3A_64 = tpu.memref_slice %arg2[%dma_wait3A_62, %dma_wait3A_63] : memref<10000x128xf32, #tpu.memory_space<hbm>> -> memref<10000x128xf32, #tpu.memory_space<hbm>>
      tpu.wait_indirect_dma semaphore(%arg14 : memref<!tpu.dma_semaphore, #tpu.memory_space<semaphore_mem>>) src(%dma_wait3A_64 : memref<10000x128xf32, #tpu.memory_space<hbm>>) dst(%arg11 : memref<80x128xf32, #tpu.memory_space<vmem>>)
      "tpu.region"() ({
        %run_scoped3A = tpu.sem_alloc : memref<!tpu.dma_semaphore, #tpu.memory_space<semaphore_mem>>
        %dma_start3A_97 = arith.constant 0 : i32
        %dma_start3A_98 = arith.constant 0 : i32
        %dma_start3A_99 = tpu.memref_slice %arg13[%dma_start3A_97, %dma_start3A_98] : memref<10112x128xf32, #tpu.memory_space<vmem_shared>> -> memref<10112x128xf32, #tpu.memory_space<vmem_shared>>
        tpu.enqueue_indirect_dma source(%arg11 : memref<80x128xf32, #tpu.memory_space<vmem>>) target(%dma_start3A_99 : memref<10112x128xf32, #tpu.memory_space<vmem_shared>>) offsets(%arg9 : memref<80xi32, #tpu.memory_space<vmem>>) semaphore(%run_scoped3A : memref<!tpu.dma_semaphore, #tpu.memory_space<semaphore_mem>>) {add = true}
        %dma_wait3A_100 = arith.constant 0 : i32
        %dma_wait3A_101 = arith.constant 0 : i32
        %dma_wait3A_102 = tpu.memref_slice %arg13[%dma_wait3A_100, %dma_wait3A_101] : memref<10112x128xf32, #tpu.memory_space<vmem_shared>> -> memref<10112x128xf32, #tpu.memory_space<vmem_shared>>
        tpu.wait_indirect_dma semaphore(%run_scoped3A : memref<!tpu.dma_semaphore, #tpu.memory_space<semaphore_mem>>) src(%arg11 : memref<80x128xf32, #tpu.memory_space<vmem>>) dst(%dma_wait3A_102 : memref<10112x128xf32, #tpu.memory_space<vmem_shared>>)
        tpu.yield
      }) : () -> ()
      %add3A_65 = arith.constant 2 : i32
      %add3A_66 = arith.addi %add3A_34, %add3A_65 : i32
      %mul3A_67 = arith.constant 80 : i32
      %mul3A_68 = arith.muli %add3A_66, %mul3A_67 : i32
      %add3A_69 = arith.addi %mul3A_2, %mul3A_68 : i32
      %dma_start3A_70 = tpu.memref_slice %arg3[%add3A_69] : memref<320000xi32, #tpu.memory_space<hbm>> -> memref<80xi32, #tpu.memory_space<hbm>>
      %dma_start3A_71 = tpu.memref_slice %arg3[%add3A_69] : memref<320000xi32, #tpu.memory_space<hbm>> -> memref<80xi32, #tpu.memory_space<hbm>>
      tpu.enqueue_dma source(%dma_start3A_71 : memref<80xi32, #tpu.memory_space<hbm>>) target(%arg7 : memref<80xi32, #tpu.memory_space<vmem>>) target_semaphore(%arg16 : memref<!tpu.dma_semaphore, #tpu.memory_space<semaphore_mem>>)
      %mul3A_72 = arith.constant 80 : i32
      %mul3A_73 = arith.muli %add3A_66, %mul3A_72 : i32
      %add3A_74 = arith.addi %mul3A_2, %mul3A_73 : i32
      %dma_start3A_75 = tpu.memref_slice %arg4[%add3A_74] : memref<320000xi32, #tpu.memory_space<hbm>> -> memref<80xi32, #tpu.memory_space<hbm>>
      %dma_start3A_76 = tpu.memref_slice %arg4[%add3A_74] : memref<320000xi32, #tpu.memory_space<hbm>> -> memref<80xi32, #tpu.memory_space<hbm>>
      tpu.enqueue_dma source(%dma_start3A_76 : memref<80xi32, #tpu.memory_space<hbm>>) target(%arg9 : memref<80xi32, #tpu.memory_space<vmem>>) target_semaphore(%arg16 : memref<!tpu.dma_semaphore, #tpu.memory_space<semaphore_mem>>)
      %add3A_77 = arith.constant 2 : i32
      %add3A_78 = arith.addi %add3A_34, %add3A_77 : i32
      %mul3A_79 = arith.constant 80 : i32
      %mul3A_80 = arith.muli %add3A_78, %mul3A_79 : i32
      %add3A_81 = arith.addi %mul3A_2, %mul3A_80 : i32
      %dma_wait3A_82 = tpu.memref_slice %arg3[%add3A_81] : memref<320000xi32, #tpu.memory_space<hbm>> -> memref<80xi32, #tpu.memory_space<hbm>>
      %dma_wait3A_83 = tpu.memref_slice %arg3[%add3A_81] : memref<320000xi32, #tpu.memory_space<hbm>> -> memref<80xi32, #tpu.memory_space<hbm>>
      tpu.wait_dma2 semaphore(%arg16 : memref<!tpu.dma_semaphore, #tpu.memory_space<semaphore_mem>>) src(%dma_wait3A_83 : memref<80xi32, #tpu.memory_space<hbm>>) dst(%arg7 : memref<80xi32, #tpu.memory_space<vmem>>)
      %mul3A_84 = arith.constant 80 : i32
      %mul3A_85 = arith.muli %add3A_78, %mul3A_84 : i32
      %add3A_86 = arith.addi %mul3A_2, %mul3A_85 : i32
      %dma_wait3A_87 = tpu.memref_slice %arg4[%add3A_86] : memref<320000xi32, #tpu.memory_space<hbm>> -> memref<80xi32, #tpu.memory_space<hbm>>
      %dma_wait3A_88 = tpu.memref_slice %arg4[%add3A_86] : memref<320000xi32, #tpu.memory_space<hbm>> -> memref<80xi32, #tpu.memory_space<hbm>>
      tpu.wait_dma2 semaphore(%arg16 : memref<!tpu.dma_semaphore, #tpu.memory_space<semaphore_mem>>) src(%dma_wait3A_88 : memref<80xi32, #tpu.memory_space<hbm>>) dst(%arg9 : memref<80xi32, #tpu.memory_space<vmem>>)
      %dma_start3A_89 = arith.constant 0 : i32
      %dma_start3A_90 = arith.constant 0 : i32
      %dma_start3A_91 = tpu.memref_slice %arg2[%dma_start3A_89, %dma_start3A_90] : memref<10000x128xf32, #tpu.memory_space<hbm>> -> memref<10000x128xf32, #tpu.memory_space<hbm>>
      tpu.enqueue_indirect_dma source(%dma_start3A_91 : memref<10000x128xf32, #tpu.memory_space<hbm>>) target(%arg11 : memref<80x128xf32, #tpu.memory_space<vmem>>) offsets(%arg7 : memref<80xi32, #tpu.memory_space<vmem>>) semaphore(%arg14 : memref<!tpu.dma_semaphore, #tpu.memory_space<semaphore_mem>>)
      %add3A_92 = arith.constant 1 : i32
      %add3A_93 = arith.addi %add3A_34, %add3A_92 : i32
      %dma_wait3A_94 = arith.constant 0 : i32
      %dma_wait3A_95 = arith.constant 0 : i32
      %dma_wait3A_96 = tpu.memref_slice %arg2[%dma_wait3A_94, %dma_wait3A_95] : memref<10000x128xf32, #tpu.memory_space<hbm>> -> memref<10000x128xf32, #tpu.memory_space<hbm>>
      tpu.wait_indirect_dma semaphore(%arg15 : memref<!tpu.dma_semaphore, #tpu.memory_space<semaphore_mem>>) src(%dma_wait3A_96 : memref<10000x128xf32, #tpu.memory_space<hbm>>) dst(%arg12 : memref<80x128xf32, #tpu.memory_space<vmem>>)
      "tpu.region"() ({
        %run_scoped3A = tpu.sem_alloc : memref<!tpu.dma_semaphore, #tpu.memory_space<semaphore_mem>>
        %dma_start3A_97 = arith.constant 0 : i32
        %dma_start3A_98 = arith.constant 0 : i32
        %dma_start3A_99 = tpu.memref_slice %arg13[%dma_start3A_97, %dma_start3A_98] : memref<10112x128xf32, #tpu.memory_space<vmem_shared>> -> memref<10112x128xf32, #tpu.memory_space<vmem_shared>>
        tpu.enqueue_indirect_dma source(%arg12 : memref<80x128xf32, #tpu.memory_space<vmem>>) target(%dma_start3A_99 : memref<10112x128xf32, #tpu.memory_space<vmem_shared>>) offsets(%arg10 : memref<80xi32, #tpu.memory_space<vmem>>) semaphore(%run_scoped3A : memref<!tpu.dma_semaphore, #tpu.memory_space<semaphore_mem>>) {add = true}
        %dma_wait3A_100 = arith.constant 0 : i32
        %dma_wait3A_101 = arith.constant 0 : i32
        %dma_wait3A_102 = tpu.memref_slice %arg13[%dma_wait3A_100, %dma_wait3A_101] : memref<10112x128xf32, #tpu.memory_space<vmem_shared>> -> memref<10112x128xf32, #tpu.memory_space<vmem_shared>>
        tpu.wait_indirect_dma semaphore(%run_scoped3A : memref<!tpu.dma_semaphore, #tpu.memory_space<semaphore_mem>>) src(%arg12 : memref<80x128xf32, #tpu.memory_space<vmem>>) dst(%dma_wait3A_102 : memref<10112x128xf32, #tpu.memory_space<vmem_shared>>)
        tpu.yield
      }) : () -> ()
    }
    %scan3A_25 = arith.constant 62 : i32
    %dma_wait3A_26 = arith.constant 0 : i32
    %dma_wait3A_27 = arith.constant 0 : i32
    %dma_wait3A_28 = tpu.memref_slice %arg2[%dma_wait3A_26, %dma_wait3A_27] : memref<10000x128xf32, #tpu.memory_space<hbm>> -> memref<10000x128xf32, #tpu.memory_space<hbm>>
    tpu.wait_indirect_dma semaphore(%arg14 : memref<!tpu.dma_semaphore, #tpu.memory_space<semaphore_mem>>) src(%dma_wait3A_28 : memref<10000x128xf32, #tpu.memory_space<hbm>>) dst(%arg11 : memref<80x128xf32, #tpu.memory_space<vmem>>)
    "tpu.region"() ({
      %run_scoped3A = tpu.sem_alloc : memref<!tpu.dma_semaphore, #tpu.memory_space<semaphore_mem>>
      %dma_start3A_30 = arith.constant 0 : i32
      %dma_start3A_31 = arith.constant 0 : i32
      %dma_start3A_32 = tpu.memref_slice %arg13[%dma_start3A_30, %dma_start3A_31] : memref<10112x128xf32, #tpu.memory_space<vmem_shared>> -> memref<10112x128xf32, #tpu.memory_space<vmem_shared>>
      tpu.enqueue_indirect_dma source(%arg11 : memref<80x128xf32, #tpu.memory_space<vmem>>) target(%dma_start3A_32 : memref<10112x128xf32, #tpu.memory_space<vmem_shared>>) offsets(%arg9 : memref<80xi32, #tpu.memory_space<vmem>>) semaphore(%run_scoped3A : memref<!tpu.dma_semaphore, #tpu.memory_space<semaphore_mem>>) {add = true}
      %dma_wait3A_33 = arith.constant 0 : i32
      %dma_wait3A_34 = arith.constant 0 : i32
      %dma_wait3A_35 = tpu.memref_slice %arg13[%dma_wait3A_33, %dma_wait3A_34] : memref<10112x128xf32, #tpu.memory_space<vmem_shared>> -> memref<10112x128xf32, #tpu.memory_space<vmem_shared>>
      tpu.wait_indirect_dma semaphore(%run_scoped3A : memref<!tpu.dma_semaphore, #tpu.memory_space<semaphore_mem>>) src(%arg11 : memref<80x128xf32, #tpu.memory_space<vmem>>) dst(%dma_wait3A_35 : memref<10112x128xf32, #tpu.memory_space<vmem_shared>>)
      tpu.yield
    }) : () -> ()
    %barrier3A_29 = arith.constant 0 : index
    tpu.barrier barrier_id(%barrier3A_29)
    "tpu.region"() ({
      %run_scoped3A = tpu.sem_alloc : memref<!tpu.dma_semaphore, #tpu.memory_space<semaphore_mem>>
      %dma_start3A_30 = arith.constant 0 : i32
      %dma_start3A_31 = tpu.memref_slice %arg6[%arg0, %mul3A_4, %dma_start3A_30] : memref<2x10112x128xf32, #tpu.memory_space<hbm>> -> memref<1x632x128xf32, #tpu.memory_space<hbm>>
      %dma_start3A_32 = tpu.memref_squeeze %dma_start3A_31 : memref<1x632x128xf32, #tpu.memory_space<hbm>> -> memref<632x128xf32, #tpu.memory_space<hbm>>
      %dma_start3A_33 = arith.constant 0 : i32
      %dma_start3A_34 = tpu.memref_slice %arg13[%mul3A_4, %dma_start3A_33] : memref<10112x128xf32, #tpu.memory_space<vmem_shared>> -> memref<632x128xf32, #tpu.memory_space<vmem_shared>>
      tpu.enqueue_dma source(%dma_start3A_34 : memref<632x128xf32, #tpu.memory_space<vmem_shared>>) target(%dma_start3A_32 : memref<632x128xf32, #tpu.memory_space<hbm>>) target_semaphore(%run_scoped3A : memref<!tpu.dma_semaphore, #tpu.memory_space<semaphore_mem>>)
      %dma_wait3A_35 = arith.constant 0 : i32
      %dma_wait3A_36 = tpu.memref_slice %arg6[%arg0, %mul3A_4, %dma_wait3A_35] : memref<2x10112x128xf32, #tpu.memory_space<hbm>> -> memref<1x632x128xf32, #tpu.memory_space<hbm>>
      %dma_wait3A_37 = tpu.memref_squeeze %dma_wait3A_36 : memref<1x632x128xf32, #tpu.memory_space<hbm>> -> memref<632x128xf32, #tpu.memory_space<hbm>>
      %dma_wait3A_38 = arith.constant 0 : i32
      %dma_wait3A_39 = tpu.memref_slice %arg13[%mul3A_4, %dma_wait3A_38] : memref<10112x128xf32, #tpu.memory_space<vmem_shared>> -> memref<632x128xf32, #tpu.memory_space<vmem_shared>>
      tpu.wait_dma2 semaphore(%run_scoped3A : memref<!tpu.dma_semaphore, #tpu.memory_space<semaphore_mem>>) src(%dma_wait3A_39 : memref<632x128xf32, #tpu.memory_space<vmem_shared>>) dst(%dma_wait3A_37 : memref<632x128xf32, #tpu.memory_space<hbm>>)
      tpu.yield
    }) : () -> ()
    return
  }
}

#map = affine_map<(d0, d1) -> (0)>
module attributes {stable_mosaic.version = 14 : i64} {
  func.func @hist(%arg0: i32, %arg1: i32, %arg2: memref<320000xi32, #tpu.memory_space<hbm>>, %arg3: memref<320000xf32, #tpu.memory_space<hbm>>, %arg4: memref<10000xi32, #tpu.memory_space<vmem>>, %arg5: memref<10000xf32, #tpu.memory_space<vmem>>, %arg6: memref<!tpu.dma_semaphore, #tpu.memory_space<semaphore_mem>>) attributes {dimension_semantics = [#tpu.dimension_semantics<core_parallel>, #tpu.dimension_semantics<subcore_parallel>], iteration_bounds = array<i64: 2, 16>, scalar_prefetch = 0 : i64, scratch_operands = 3 : i64, tpu.core_type = #tpu.core_type<sc_vector_subcore>, window_params = [{transform_indices = #map}, {transform_indices = #map}]} {
    %mul3A = arith.constant 16 : i32
    %mul3A_0 = arith.muli %arg0, %mul3A : i32
    %add3A = arith.addi %mul3A_0, %arg1 : i32
    %mul3A_1 = arith.constant 10000 : i32
    %mul3A_2 = arith.muli %add3A, %mul3A_1 : i32
    %broadcast_in_dim3A = arith.constant 0.000000e+00 : f32
    %broadcast_in_dim3A_3 = vector.broadcast %broadcast_in_dim3A : f32 to vector<16xf32>
    %broadcast_in_dim3A_4 = arith.constant 1.000000e+00 : f32
    %broadcast_in_dim3A_5 = vector.broadcast %broadcast_in_dim3A_4 : f32 to vector<16xf32>
    %dma_start3A = tpu.memref_slice %arg2[%mul3A_2] : memref<320000xi32, #tpu.memory_space<hbm>> -> memref<10000xi32, #tpu.memory_space<hbm>>
    %dma_start3A_6 = tpu.memref_slice %arg2[%mul3A_2] : memref<320000xi32, #tpu.memory_space<hbm>> -> memref<10000xi32, #tpu.memory_space<hbm>>
    tpu.enqueue_dma source(%dma_start3A_6 : memref<10000xi32, #tpu.memory_space<hbm>>) target(%arg4 : memref<10000xi32, #tpu.memory_space<vmem>>) target_semaphore(%arg6 : memref<!tpu.dma_semaphore, #tpu.memory_space<semaphore_mem>>)
    %scan3A = arith.constant 0 : i32
    %scan3A_7 = arith.constant 625 : i32
    %scan3A_8 = arith.addi %scan3A, %scan3A_7 : i32
    %scan3A_9 = arith.constant 1 : i32
    scf.for %scan3A_19 = %scan3A to %scan3A_8 step %scan3A_9  : i32 {
      %mul3A_20 = arith.constant 1 : i32
      %mul3A_21 = arith.muli %scan3A_19, %mul3A_20 : i32
      %add3A_22 = arith.constant 0 : i32
      %add3A_23 = arith.addi %add3A_22, %mul3A_21 : i32
      %mul3A_24 = arith.constant 16 : i32
      %mul3A_25 = arith.muli %add3A_23, %mul3A_24 : i32
      %swap3A = arith.index_cast %mul3A_25 : i32 to index
      %swap3A_26 = tpu.vector_load %arg5[%swap3A] {strides = array<i32>} : memref<10000xf32, #tpu.memory_space<vmem>>, vector<16xf32>,
      tpu.vector_store %arg5[%swap3A], %broadcast_in_dim3A_3 {strides = array<i32>} : memref<10000xf32, #tpu.memory_space<vmem>>, vector<16xf32>,
    }
    %scan3A_10 = arith.constant 625 : i32
    %dma_wait3A = tpu.memref_slice %arg2[%mul3A_2] : memref<320000xi32, #tpu.memory_space<hbm>> -> memref<10000xi32, #tpu.memory_space<hbm>>
    %dma_wait3A_11 = tpu.memref_slice %arg2[%mul3A_2] : memref<320000xi32, #tpu.memory_space<hbm>> -> memref<10000xi32, #tpu.memory_space<hbm>>
    tpu.wait_dma2 semaphore(%arg6 : memref<!tpu.dma_semaphore, #tpu.memory_space<semaphore_mem>>) src(%dma_wait3A_11 : memref<10000xi32, #tpu.memory_space<hbm>>) dst(%arg4 : memref<10000xi32, #tpu.memory_space<vmem>>)
    %scan3A_12 = arith.constant 0 : i32
    %scan3A_13 = arith.constant 156 : i32
    %scan3A_14 = arith.addi %scan3A_12, %scan3A_13 : i32
    %scan3A_15 = arith.constant 1 : i32
    scf.for %scan3A_19 = %scan3A_12 to %scan3A_14 step %scan3A_15  : i32 {
      %mul3A_20 = arith.constant 1 : i32
      %mul3A_21 = arith.muli %scan3A_19, %mul3A_20 : i32
      %add3A_22 = arith.constant 0 : i32
      %add3A_23 = arith.addi %add3A_22, %mul3A_21 : i32
      %mul3A_24 = arith.constant 64 : i32
      %mul3A_25 = arith.muli %add3A_23, %mul3A_24 : i32
      %add3A_26 = arith.constant 0 : i32
      %add3A_27 = arith.addi %mul3A_25, %add3A_26 : i32
      %get3A = arith.index_cast %add3A_27 : i32 to index
      %get3A_28 = tpu.vector_load %arg4[%get3A] {strides = array<i32>} : memref<10000xi32, #tpu.memory_space<vmem>>, vector<16xi32>,
      tpu.vector_store_idx %arg5[%get3A_28], %broadcast_in_dim3A_5 {add = true} : memref<10000xf32, #tpu.memory_space<vmem>>[vector<16xi32>], vector<16xf32>,
      %mul3A_29 = arith.constant 64 : i32
      %mul3A_30 = arith.muli %add3A_23, %mul3A_29 : i32
      %add3A_31 = arith.constant 16 : i32
      %add3A_32 = arith.addi %mul3A_30, %add3A_31 : i32
      %get3A_33 = arith.index_cast %add3A_32 : i32 to index
      %get3A_34 = tpu.vector_load %arg4[%get3A_33] {strides = array<i32>} : memref<10000xi32, #tpu.memory_space<vmem>>, vector<16xi32>,
      tpu.vector_store_idx %arg5[%get3A_34], %broadcast_in_dim3A_5 {add = true} : memref<10000xf32, #tpu.memory_space<vmem>>[vector<16xi32>], vector<16xf32>,
      %mul3A_35 = arith.constant 64 : i32
      %mul3A_36 = arith.muli %add3A_23, %mul3A_35 : i32
      %add3A_37 = arith.constant 32 : i32
      %add3A_38 = arith.addi %mul3A_36, %add3A_37 : i32
      %get3A_39 = arith.index_cast %add3A_38 : i32 to index
      %get3A_40 = tpu.vector_load %arg4[%get3A_39] {strides = array<i32>} : memref<10000xi32, #tpu.memory_space<vmem>>, vector<16xi32>,
      tpu.vector_store_idx %arg5[%get3A_40], %broadcast_in_dim3A_5 {add = true} : memref<10000xf32, #tpu.memory_space<vmem>>[vector<16xi32>], vector<16xf32>,
      %mul3A_41 = arith.constant 64 : i32
      %mul3A_42 = arith.muli %add3A_23, %mul3A_41 : i32
      %add3A_43 = arith.constant 48 : i32
      %add3A_44 = arith.addi %mul3A_42, %add3A_43 : i32
      %get3A_45 = arith.index_cast %add3A_44 : i32 to index
      %get3A_46 = tpu.vector_load %arg4[%get3A_45] {strides = array<i32>} : memref<10000xi32, #tpu.memory_space<vmem>>, vector<16xi32>,
      tpu.vector_store_idx %arg5[%get3A_46], %broadcast_in_dim3A_5 {add = true} : memref<10000xf32, #tpu.memory_space<vmem>>[vector<16xi32>], vector<16xf32>,
    }
    %scan3A_16 = arith.constant 156 : i32
    %mul3A_17 = arith.constant 10000 : i32
    %mul3A_18 = arith.muli %add3A, %mul3A_17 : i32
    "tpu.region"() ({
      %run_scoped3A = tpu.sem_alloc : memref<!tpu.dma_semaphore, #tpu.memory_space<semaphore_mem>>
      %dma_start3A_19 = tpu.memref_slice %arg3[%mul3A_18] : memref<320000xf32, #tpu.memory_space<hbm>> -> memref<10000xf32, #tpu.memory_space<hbm>>
      %dma_start3A_20 = tpu.memref_slice %arg3[%mul3A_18] : memref<320000xf32, #tpu.memory_space<hbm>> -> memref<10000xf32, #tpu.memory_space<hbm>>
      tpu.enqueue_dma source(%arg5 : memref<10000xf32, #tpu.memory_space<vmem>>) target(%dma_start3A_20 : memref<10000xf32, #tpu.memory_space<hbm>>) target_semaphore(%run_scoped3A : memref<!tpu.dma_semaphore, #tpu.memory_space<semaphore_mem>>)
      %dma_wait3A_21 = tpu.memref_slice %arg3[%mul3A_18] : memref<320000xf32, #tpu.memory_space<hbm>> -> memref<10000xf32, #tpu.memory_space<hbm>>
      %dma_wait3A_22 = tpu.memref_slice %arg3[%mul3A_18] : memref<320000xf32, #tpu.memory_space<hbm>> -> memref<10000xf32, #tpu.memory_space<hbm>>
      tpu.wait_dma2 semaphore(%run_scoped3A : memref<!tpu.dma_semaphore, #tpu.memory_space<semaphore_mem>>) src(%arg5 : memref<10000xf32, #tpu.memory_space<vmem>>) dst(%dma_wait3A_22 : memref<10000xf32, #tpu.memory_space<hbm>>)
      tpu.yield
    }) : () -> ()
    return
  }
}

#map = affine_map<(d0, d1) -> (0, 0)>
#map1 = affine_map<(d0, d1) -> (0)>
#map2 = affine_map<(d0, d1) -> (0, 0, 0)>
module attributes {stable_mosaic.version = 14 : i64} {
  func.func @scat(%arg0: i32, %arg1: i32, %arg2: memref<10000x64xf32, #tpu.memory_space<hbm>>, %arg3: memref<320000xi32, #tpu.memory_space<hbm>>, %arg4: memref<320000xi32, #tpu.memory_space<hbm>>, %arg5: memref<10112x64xf32, #tpu.memory_space<hbm>>, %arg6: memref<2x10112x64xf32, #tpu.memory_space<hbm>>, %arg7: memref<80xi32, #tpu.memory_space<vmem>>, %arg8: memref<80xi32, #tpu.memory_space<vmem>>, %arg9: memref<80xi32, #tpu.memory_space<vmem>>, %arg10: memref<80xi32, #tpu.memory_space<vmem>>, %arg11: memref<80x64xf32, #tpu.memory_space<vmem>>, %arg12: memref<80x64xf32, #tpu.memory_space<vmem>>, %arg13: memref<10112x64xf32, #tpu.memory_space<vmem_shared>>, %arg14: memref<!tpu.dma_semaphore, #tpu.memory_space<semaphore_mem>>, %arg15: memref<!tpu.dma_semaphore, #tpu.memory_space<semaphore_mem>>, %arg16: memref<!tpu.dma_semaphore, #tpu.memory_space<semaphore_mem>>, %arg17: memref<!tpu.dma_semaphore, #tpu.memory_space<semaphore_mem>>) attributes {dimension_semantics = [#tpu.dimension_semantics<core_parallel>, #tpu.dimension_semantics<subcore_parallel>], iteration_bounds = array<i64: 2, 16>, scalar_prefetch = 0 : i64, scratch_operands = 11 : i64, tpu.core_type = #tpu.core_type<sc_vector_subcore>, window_params = [{transform_indices = #map}, {transform_indices = #map1}, {transform_indices = #map1}, {transform_indices = #map}, {transform_indices = #map2}]} {
    %mul3A = arith.constant 16 : i32
    %mul3A_0 = arith.muli %arg0, %mul3A : i32
    %add3A = arith.addi %mul3A_0, %arg1 : i32
    %mul3A_1 = arith.constant 10000 : i32
    %mul3A_2 = arith.muli %add3A, %mul3A_1 : i32
    %mul3A_3 = arith.constant 632 : i32
    %mul3A_4 = arith.muli %arg1, %mul3A_3 : i32
    "tpu.region"() ({
      %run_scoped3A = tpu.sem_alloc : memref<!tpu.dma_semaphore, #tpu.memory_space<semaphore_mem>>
      %dma_start3A_30 = arith.constant 0 : i32
      %dma_start3A_31 = tpu.memref_slice %arg13[%mul3A_4, %dma_start3A_30] : memref<10112x64xf32, #tpu.memory_space<vmem_shared>> -> memref<632x64xf32, #tpu.memory_space<vmem_shared>>
      %dma_start3A_32 = arith.constant 0 : i32
      %dma_start3A_33 = tpu.memref_slice %arg5[%mul3A_4, %dma_start3A_32] : memref<10112x64xf32, #tpu.memory_space<hbm>> -> memref<632x64xf32, #tpu.memory_space<hbm>>
      tpu.enqueue_dma source(%dma_start3A_33 : memref<632x64xf32, #tpu.memory_space<hbm>>) target(%dma_start3A_31 : memref<632x64xf32, #tpu.memory_space<vmem_shared>>) target_semaphore(%run_scoped3A : memref<!tpu.dma_semaphore, #tpu.memory_space<semaphore_mem>>)
      %dma_wait3A_34 = arith.constant 0 : i32
      %dma_wait3A_35 = tpu.memref_slice %arg13[%mul3A_4, %dma_wait3A_34] : memref<10112x64xf32, #tpu.memory_space<vmem_shared>> -> memref<632x64xf32, #tpu.memory_space<vmem_shared>>
      %dma_wait3A_36 = arith.constant 0 : i32
      %dma_wait3A_37 = tpu.memref_slice %arg5[%mul3A_4, %dma_wait3A_36] : memref<10112x64xf32, #tpu.memory_space<hbm>> -> memref<632x64xf32, #tpu.memory_space<hbm>>
      tpu.wait_dma2 semaphore(%run_scoped3A : memref<!tpu.dma_semaphore, #tpu.memory_space<semaphore_mem>>) src(%dma_wait3A_37 : memref<632x64xf32, #tpu.memory_space<hbm>>) dst(%dma_wait3A_35 : memref<632x64xf32, #tpu.memory_space<vmem_shared>>)
      tpu.yield
    }) : () -> ()
    %barrier3A = arith.constant 0 : index
    tpu.barrier barrier_id(%barrier3A)
    %add3A_5 = arith.constant 0 : i32
    %add3A_6 = arith.addi %mul3A_2, %add3A_5 : i32
    %dma_start3A = tpu.memref_slice %arg3[%add3A_6] : memref<320000xi32, #tpu.memory_space<hbm>> -> memref<80xi32, #tpu.memory_space<hbm>>
    %dma_start3A_7 = tpu.memref_slice %arg3[%add3A_6] : memref<320000xi32, #tpu.memory_space<hbm>> -> memref<80xi32, #tpu.memory_space<hbm>>
    tpu.enqueue_dma source(%dma_start3A_7 : memref<80xi32, #tpu.memory_space<hbm>>) target(%arg7 : memref<80xi32, #tpu.memory_space<vmem>>) target_semaphore(%arg16 : memref<!tpu.dma_semaphore, #tpu.memory_space<semaphore_mem>>)
    %add3A_8 = arith.constant 0 : i32
    %add3A_9 = arith.addi %mul3A_2, %add3A_8 : i32
    %dma_start3A_10 = tpu.memref_slice %arg4[%add3A_9] : memref<320000xi32, #tpu.memory_space<hbm>> -> memref<80xi32, #tpu.memory_space<hbm>>
    %dma_start3A_11 = tpu.memref_slice %arg4[%add3A_9] : memref<320000xi32, #tpu.memory_space<hbm>> -> memref<80xi32, #tpu.memory_space<hbm>>
    tpu.enqueue_dma source(%dma_start3A_11 : memref<80xi32, #tpu.memory_space<hbm>>) target(%arg9 : memref<80xi32, #tpu.memory_space<vmem>>) target_semaphore(%arg16 : memref<!tpu.dma_semaphore, #tpu.memory_space<semaphore_mem>>)
    %add3A_12 = arith.constant 0 : i32
    %add3A_13 = arith.addi %mul3A_2, %add3A_12 : i32
    %dma_wait3A = tpu.memref_slice %arg3[%add3A_13] : memref<320000xi32, #tpu.memory_space<hbm>> -> memref<80xi32, #tpu.memory_space<hbm>>
    %dma_wait3A_14 = tpu.memref_slice %arg3[%add3A_13] : memref<320000xi32, #tpu.memory_space<hbm>> -> memref<80xi32, #tpu.memory_space<hbm>>
    tpu.wait_dma2 semaphore(%arg16 : memref<!tpu.dma_semaphore, #tpu.memory_space<semaphore_mem>>) src(%dma_wait3A_14 : memref<80xi32, #tpu.memory_space<hbm>>) dst(%arg7 : memref<80xi32, #tpu.memory_space<vmem>>)
    %add3A_15 = arith.constant 0 : i32
    %add3A_16 = arith.addi %mul3A_2, %add3A_15 : i32
    %dma_wait3A_17 = tpu.memref_slice %arg4[%add3A_16] : memref<320000xi32, #tpu.memory_space<hbm>> -> memref<80xi32, #tpu.memory_space<hbm>>
    %dma_wait3A_18 = tpu.memref_slice %arg4[%add3A_16] : memref<320000xi32, #tpu.memory_space<hbm>> -> memref<80xi32, #tpu.memory_space<hbm>>
    tpu.wait_dma2 semaphore(%arg16 : memref<!tpu.dma_semaphore, #tpu.memory_space<semaphore_mem>>) src(%dma_wait3A_18 : memref<80xi32, #tpu.memory_space<hbm>>) dst(%arg9 : memref<80xi32, #tpu.memory_space<vmem>>)
    %dma_start3A_19 = arith.constant 0 : i32
    %dma_start3A_20 = arith.constant 0 : i32
    %dma_start3A_21 = tpu.memref_slice %arg2[%dma_start3A_19, %dma_start3A_20] : memref<10000x64xf32, #tpu.memory_space<hbm>> -> memref<10000x64xf32, #tpu.memory_space<hbm>>
    tpu.enqueue_indirect_dma source(%dma_start3A_21 : memref<10000x64xf32, #tpu.memory_space<hbm>>) target(%arg11 : memref<80x64xf32, #tpu.memory_space<vmem>>) offsets(%arg7 : memref<80xi32, #tpu.memory_space<vmem>>) semaphore(%arg14 : memref<!tpu.dma_semaphore, #tpu.memory_space<semaphore_mem>>)
    %scan3A = arith.constant 0 : i32
    %scan3A_22 = arith.constant 62 : i32
    %scan3A_23 = arith.addi %scan3A, %scan3A_22 : i32
    %scan3A_24 = arith.constant 1 : i32
    scf.for %scan3A_30 = %scan3A to %scan3A_23 step %scan3A_24  : i32 {
      %mul3A_31 = arith.constant 2 : i32
      %mul3A_32 = arith.muli %scan3A_30, %mul3A_31 : i32
      %add3A_33 = arith.constant 0 : i32
      %add3A_34 = arith.addi %add3A_33, %mul3A_32 : i32
      %add3A_35 = arith.constant 1 : i32
      %add3A_36 = arith.addi %add3A_34, %add3A_35 : i32
      %mul3A_37 = arith.constant 80 : i32
      %mul3A_38 = arith.muli %add3A_36, %mul3A_37 : i32
      %add3A_39 = arith.addi %mul3A_2, %mul3A_38 : i32
      %dma_start3A_40 = tpu.memref_slice %arg3[%add3A_39] : memref<320000xi32, #tpu.memory_space<hbm>> -> memref<80xi32, #tpu.memory_space<hbm>>
      %dma_start3A_41 = tpu.memref_slice %arg3[%add3A_39] : memref<320000xi32, #tpu.memory_space<hbm>> -> memref<80xi32, #tpu.memory_space<hbm>>
      tpu.enqueue_dma source(%dma_start3A_41 : memref<80xi32, #tpu.memory_space<hbm>>) target(%arg8 : memref<80xi32, #tpu.memory_space<vmem>>) target_semaphore(%arg17 : memref<!tpu.dma_semaphore, #tpu.memory_space<semaphore_mem>>)
      %mul3A_42 = arith.constant 80 : i32
      %mul3A_43 = arith.muli %add3A_36, %mul3A_42 : i32
      %add3A_44 = arith.addi %mul3A_2, %mul3A_43 : i32
      %dma_start3A_45 = tpu.memref_slice %arg4[%add3A_44] : memref<320000xi32, #tpu.memory_space<hbm>> -> memref<80xi32, #tpu.memory_space<hbm>>
      %dma_start3A_46 = tpu.memref_slice %arg4[%add3A_44] : memref<320000xi32, #tpu.memory_space<hbm>> -> memref<80xi32, #tpu.memory_space<hbm>>
      tpu.enqueue_dma source(%dma_start3A_46 : memref<80xi32, #tpu.memory_space<hbm>>) target(%arg10 : memref<80xi32, #tpu.memory_space<vmem>>) target_semaphore(%arg17 : memref<!tpu.dma_semaphore, #tpu.memory_space<semaphore_mem>>)
      %add3A_47 = arith.constant 1 : i32
      %add3A_48 = arith.addi %add3A_34, %add3A_47 : i32
      %mul3A_49 = arith.constant 80 : i32
      %mul3A_50 = arith.muli %add3A_48, %mul3A_49 : i32
      %add3A_51 = arith.addi %mul3A_2, %mul3A_50 : i32
      %dma_wait3A_52 = tpu.memref_slice %arg3[%add3A_51] : memref<320000xi32, #tpu.memory_space<hbm>> -> memref<80xi32, #tpu.memory_space<hbm>>
      %dma_wait3A_53 = tpu.memref_slice %arg3[%add3A_51] : memref<320000xi32, #tpu.memory_space<hbm>> -> memref<80xi32, #tpu.memory_space<hbm>>
      tpu.wait_dma2 semaphore(%arg17 : memref<!tpu.dma_semaphore, #tpu.memory_space<semaphore_mem>>) src(%dma_wait3A_53 : memref<80xi32, #tpu.memory_space<hbm>>) dst(%arg8 : memref<80xi32, #tpu.memory_space<vmem>>)
      %mul3A_54 = arith.constant 80 : i32
      %mul3A_55 = arith.muli %add3A_48, %mul3A_54 : i32
      %add3A_56 = arith.addi %mul3A_2, %mul3A_55 : i32
      %dma_wait3A_57 = tpu.memref_slice %arg4[%add3A_56] : memref<320000xi32, #tpu.memory_space<hbm>> -> memref<80xi32, #tpu.memory_space<hbm>>
      %dma_wait3A_58 = tpu.memref_slice %arg4[%add3A_56] : memref<320000xi32, #tpu.memory_space<hbm>> -> memref<80xi32, #tpu.memory_space<hbm>>
      tpu.wait_dma2 semaphore(%arg17 : memref<!tpu.dma_semaphore, #tpu.memory_space<semaphore_mem>>) src(%dma_wait3A_58 : memref<80xi32, #tpu.memory_space<hbm>>) dst(%arg10 : memref<80xi32, #tpu.memory_space<vmem>>)
      %dma_start3A_59 = arith.constant 0 : i32
      %dma_start3A_60 = arith.constant 0 : i32
      %dma_start3A_61 = tpu.memref_slice %arg2[%dma_start3A_59, %dma_start3A_60] : memref<10000x64xf32, #tpu.memory_space<hbm>> -> memref<10000x64xf32, #tpu.memory_space<hbm>>
      tpu.enqueue_indirect_dma source(%dma_start3A_61 : memref<10000x64xf32, #tpu.memory_space<hbm>>) target(%arg12 : memref<80x64xf32, #tpu.memory_space<vmem>>) offsets(%arg8 : memref<80xi32, #tpu.memory_space<vmem>>) semaphore(%arg15 : memref<!tpu.dma_semaphore, #tpu.memory_space<semaphore_mem>>)
      %dma_wait3A_62 = arith.constant 0 : i32
      %dma_wait3A_63 = arith.constant 0 : i32
      %dma_wait3A_64 = tpu.memref_slice %arg2[%dma_wait3A_62, %dma_wait3A_63] : memref<10000x64xf32, #tpu.memory_space<hbm>> -> memref<10000x64xf32, #tpu.memory_space<hbm>>
      tpu.wait_indirect_dma semaphore(%arg14 : memref<!tpu.dma_semaphore, #tpu.memory_space<semaphore_mem>>) src(%dma_wait3A_64 : memref<10000x64xf32, #tpu.memory_space<hbm>>) dst(%arg11 : memref<80x64xf32, #tpu.memory_space<vmem>>)
      "tpu.region"() ({
        %run_scoped3A = tpu.sem_alloc : memref<!tpu.dma_semaphore, #tpu.memory_space<semaphore_mem>>
        %dma_start3A_97 = arith.constant 0 : i32
        %dma_start3A_98 = arith.constant 0 : i32
        %dma_start3A_99 = tpu.memref_slice %arg13[%dma_start3A_97, %dma_start3A_98] : memref<10112x64xf32, #tpu.memory_space<vmem_shared>> -> memref<10112x64xf32, #tpu.memory_space<vmem_shared>>
        tpu.enqueue_indirect_dma source(%arg11 : memref<80x64xf32, #tpu.memory_space<vmem>>) target(%dma_start3A_99 : memref<10112x64xf32, #tpu.memory_space<vmem_shared>>) offsets(%arg9 : memref<80xi32, #tpu.memory_space<vmem>>) semaphore(%run_scoped3A : memref<!tpu.dma_semaphore, #tpu.memory_space<semaphore_mem>>) {add = true}
        %dma_wait3A_100 = arith.constant 0 : i32
        %dma_wait3A_101 = arith.constant 0 : i32
        %dma_wait3A_102 = tpu.memref_slice %arg13[%dma_wait3A_100, %dma_wait3A_101] : memref<10112x64xf32, #tpu.memory_space<vmem_shared>> -> memref<10112x64xf32, #tpu.memory_space<vmem_shared>>
        tpu.wait_indirect_dma semaphore(%run_scoped3A : memref<!tpu.dma_semaphore, #tpu.memory_space<semaphore_mem>>) src(%arg11 : memref<80x64xf32, #tpu.memory_space<vmem>>) dst(%dma_wait3A_102 : memref<10112x64xf32, #tpu.memory_space<vmem_shared>>)
        tpu.yield
      }) : () -> ()
      %add3A_65 = arith.constant 2 : i32
      %add3A_66 = arith.addi %add3A_34, %add3A_65 : i32
      %mul3A_67 = arith.constant 80 : i32
      %mul3A_68 = arith.muli %add3A_66, %mul3A_67 : i32
      %add3A_69 = arith.addi %mul3A_2, %mul3A_68 : i32
      %dma_start3A_70 = tpu.memref_slice %arg3[%add3A_69] : memref<320000xi32, #tpu.memory_space<hbm>> -> memref<80xi32, #tpu.memory_space<hbm>>
      %dma_start3A_71 = tpu.memref_slice %arg3[%add3A_69] : memref<320000xi32, #tpu.memory_space<hbm>> -> memref<80xi32, #tpu.memory_space<hbm>>
      tpu.enqueue_dma source(%dma_start3A_71 : memref<80xi32, #tpu.memory_space<hbm>>) target(%arg7 : memref<80xi32, #tpu.memory_space<vmem>>) target_semaphore(%arg16 : memref<!tpu.dma_semaphore, #tpu.memory_space<semaphore_mem>>)
      %mul3A_72 = arith.constant 80 : i32
      %mul3A_73 = arith.muli %add3A_66, %mul3A_72 : i32
      %add3A_74 = arith.addi %mul3A_2, %mul3A_73 : i32
      %dma_start3A_75 = tpu.memref_slice %arg4[%add3A_74] : memref<320000xi32, #tpu.memory_space<hbm>> -> memref<80xi32, #tpu.memory_space<hbm>>
      %dma_start3A_76 = tpu.memref_slice %arg4[%add3A_74] : memref<320000xi32, #tpu.memory_space<hbm>> -> memref<80xi32, #tpu.memory_space<hbm>>
      tpu.enqueue_dma source(%dma_start3A_76 : memref<80xi32, #tpu.memory_space<hbm>>) target(%arg9 : memref<80xi32, #tpu.memory_space<vmem>>) target_semaphore(%arg16 : memref<!tpu.dma_semaphore, #tpu.memory_space<semaphore_mem>>)
      %add3A_77 = arith.constant 2 : i32
      %add3A_78 = arith.addi %add3A_34, %add3A_77 : i32
      %mul3A_79 = arith.constant 80 : i32
      %mul3A_80 = arith.muli %add3A_78, %mul3A_79 : i32
      %add3A_81 = arith.addi %mul3A_2, %mul3A_80 : i32
      %dma_wait3A_82 = tpu.memref_slice %arg3[%add3A_81] : memref<320000xi32, #tpu.memory_space<hbm>> -> memref<80xi32, #tpu.memory_space<hbm>>
      %dma_wait3A_83 = tpu.memref_slice %arg3[%add3A_81] : memref<320000xi32, #tpu.memory_space<hbm>> -> memref<80xi32, #tpu.memory_space<hbm>>
      tpu.wait_dma2 semaphore(%arg16 : memref<!tpu.dma_semaphore, #tpu.memory_space<semaphore_mem>>) src(%dma_wait3A_83 : memref<80xi32, #tpu.memory_space<hbm>>) dst(%arg7 : memref<80xi32, #tpu.memory_space<vmem>>)
      %mul3A_84 = arith.constant 80 : i32
      %mul3A_85 = arith.muli %add3A_78, %mul3A_84 : i32
      %add3A_86 = arith.addi %mul3A_2, %mul3A_85 : i32
      %dma_wait3A_87 = tpu.memref_slice %arg4[%add3A_86] : memref<320000xi32, #tpu.memory_space<hbm>> -> memref<80xi32, #tpu.memory_space<hbm>>
      %dma_wait3A_88 = tpu.memref_slice %arg4[%add3A_86] : memref<320000xi32, #tpu.memory_space<hbm>> -> memref<80xi32, #tpu.memory_space<hbm>>
      tpu.wait_dma2 semaphore(%arg16 : memref<!tpu.dma_semaphore, #tpu.memory_space<semaphore_mem>>) src(%dma_wait3A_88 : memref<80xi32, #tpu.memory_space<hbm>>) dst(%arg9 : memref<80xi32, #tpu.memory_space<vmem>>)
      %dma_start3A_89 = arith.constant 0 : i32
      %dma_start3A_90 = arith.constant 0 : i32
      %dma_start3A_91 = tpu.memref_slice %arg2[%dma_start3A_89, %dma_start3A_90] : memref<10000x64xf32, #tpu.memory_space<hbm>> -> memref<10000x64xf32, #tpu.memory_space<hbm>>
      tpu.enqueue_indirect_dma source(%dma_start3A_91 : memref<10000x64xf32, #tpu.memory_space<hbm>>) target(%arg11 : memref<80x64xf32, #tpu.memory_space<vmem>>) offsets(%arg7 : memref<80xi32, #tpu.memory_space<vmem>>) semaphore(%arg14 : memref<!tpu.dma_semaphore, #tpu.memory_space<semaphore_mem>>)
      %add3A_92 = arith.constant 1 : i32
      %add3A_93 = arith.addi %add3A_34, %add3A_92 : i32
      %dma_wait3A_94 = arith.constant 0 : i32
      %dma_wait3A_95 = arith.constant 0 : i32
      %dma_wait3A_96 = tpu.memref_slice %arg2[%dma_wait3A_94, %dma_wait3A_95] : memref<10000x64xf32, #tpu.memory_space<hbm>> -> memref<10000x64xf32, #tpu.memory_space<hbm>>
      tpu.wait_indirect_dma semaphore(%arg15 : memref<!tpu.dma_semaphore, #tpu.memory_space<semaphore_mem>>) src(%dma_wait3A_96 : memref<10000x64xf32, #tpu.memory_space<hbm>>) dst(%arg12 : memref<80x64xf32, #tpu.memory_space<vmem>>)
      "tpu.region"() ({
        %run_scoped3A = tpu.sem_alloc : memref<!tpu.dma_semaphore, #tpu.memory_space<semaphore_mem>>
        %dma_start3A_97 = arith.constant 0 : i32
        %dma_start3A_98 = arith.constant 0 : i32
        %dma_start3A_99 = tpu.memref_slice %arg13[%dma_start3A_97, %dma_start3A_98] : memref<10112x64xf32, #tpu.memory_space<vmem_shared>> -> memref<10112x64xf32, #tpu.memory_space<vmem_shared>>
        tpu.enqueue_indirect_dma source(%arg12 : memref<80x64xf32, #tpu.memory_space<vmem>>) target(%dma_start3A_99 : memref<10112x64xf32, #tpu.memory_space<vmem_shared>>) offsets(%arg10 : memref<80xi32, #tpu.memory_space<vmem>>) semaphore(%run_scoped3A : memref<!tpu.dma_semaphore, #tpu.memory_space<semaphore_mem>>) {add = true}
        %dma_wait3A_100 = arith.constant 0 : i32
        %dma_wait3A_101 = arith.constant 0 : i32
        %dma_wait3A_102 = tpu.memref_slice %arg13[%dma_wait3A_100, %dma_wait3A_101] : memref<10112x64xf32, #tpu.memory_space<vmem_shared>> -> memref<10112x64xf32, #tpu.memory_space<vmem_shared>>
        tpu.wait_indirect_dma semaphore(%run_scoped3A : memref<!tpu.dma_semaphore, #tpu.memory_space<semaphore_mem>>) src(%arg12 : memref<80x64xf32, #tpu.memory_space<vmem>>) dst(%dma_wait3A_102 : memref<10112x64xf32, #tpu.memory_space<vmem_shared>>)
        tpu.yield
      }) : () -> ()
    }
    %scan3A_25 = arith.constant 62 : i32
    %dma_wait3A_26 = arith.constant 0 : i32
    %dma_wait3A_27 = arith.constant 0 : i32
    %dma_wait3A_28 = tpu.memref_slice %arg2[%dma_wait3A_26, %dma_wait3A_27] : memref<10000x64xf32, #tpu.memory_space<hbm>> -> memref<10000x64xf32, #tpu.memory_space<hbm>>
    tpu.wait_indirect_dma semaphore(%arg14 : memref<!tpu.dma_semaphore, #tpu.memory_space<semaphore_mem>>) src(%dma_wait3A_28 : memref<10000x64xf32, #tpu.memory_space<hbm>>) dst(%arg11 : memref<80x64xf32, #tpu.memory_space<vmem>>)
    "tpu.region"() ({
      %run_scoped3A = tpu.sem_alloc : memref<!tpu.dma_semaphore, #tpu.memory_space<semaphore_mem>>
      %dma_start3A_30 = arith.constant 0 : i32
      %dma_start3A_31 = arith.constant 0 : i32
      %dma_start3A_32 = tpu.memref_slice %arg13[%dma_start3A_30, %dma_start3A_31] : memref<10112x64xf32, #tpu.memory_space<vmem_shared>> -> memref<10112x64xf32, #tpu.memory_space<vmem_shared>>
      tpu.enqueue_indirect_dma source(%arg11 : memref<80x64xf32, #tpu.memory_space<vmem>>) target(%dma_start3A_32 : memref<10112x64xf32, #tpu.memory_space<vmem_shared>>) offsets(%arg9 : memref<80xi32, #tpu.memory_space<vmem>>) semaphore(%run_scoped3A : memref<!tpu.dma_semaphore, #tpu.memory_space<semaphore_mem>>) {add = true}
      %dma_wait3A_33 = arith.constant 0 : i32
      %dma_wait3A_34 = arith.constant 0 : i32
      %dma_wait3A_35 = tpu.memref_slice %arg13[%dma_wait3A_33, %dma_wait3A_34] : memref<10112x64xf32, #tpu.memory_space<vmem_shared>> -> memref<10112x64xf32, #tpu.memory_space<vmem_shared>>
      tpu.wait_indirect_dma semaphore(%run_scoped3A : memref<!tpu.dma_semaphore, #tpu.memory_space<semaphore_mem>>) src(%arg11 : memref<80x64xf32, #tpu.memory_space<vmem>>) dst(%dma_wait3A_35 : memref<10112x64xf32, #tpu.memory_space<vmem_shared>>)
      tpu.yield
    }) : () -> ()
    %barrier3A_29 = arith.constant 0 : index
    tpu.barrier barrier_id(%barrier3A_29)
    "tpu.region"() ({
      %run_scoped3A = tpu.sem_alloc : memref<!tpu.dma_semaphore, #tpu.memory_space<semaphore_mem>>
      %dma_start3A_30 = arith.constant 0 : i32
      %dma_start3A_31 = tpu.memref_slice %arg6[%arg0, %mul3A_4, %dma_start3A_30] : memref<2x10112x64xf32, #tpu.memory_space<hbm>> -> memref<1x632x64xf32, #tpu.memory_space<hbm>>
      %dma_start3A_32 = tpu.memref_squeeze %dma_start3A_31 : memref<1x632x64xf32, #tpu.memory_space<hbm>> -> memref<632x64xf32, #tpu.memory_space<hbm>>
      %dma_start3A_33 = arith.constant 0 : i32
      %dma_start3A_34 = tpu.memref_slice %arg13[%mul3A_4, %dma_start3A_33] : memref<10112x64xf32, #tpu.memory_space<vmem_shared>> -> memref<632x64xf32, #tpu.memory_space<vmem_shared>>
      tpu.enqueue_dma source(%dma_start3A_34 : memref<632x64xf32, #tpu.memory_space<vmem_shared>>) target(%dma_start3A_32 : memref<632x64xf32, #tpu.memory_space<hbm>>) target_semaphore(%run_scoped3A : memref<!tpu.dma_semaphore, #tpu.memory_space<semaphore_mem>>)
      %dma_wait3A_35 = arith.constant 0 : i32
      %dma_wait3A_36 = tpu.memref_slice %arg6[%arg0, %mul3A_4, %dma_wait3A_35] : memref<2x10112x64xf32, #tpu.memory_space<hbm>> -> memref<1x632x64xf32, #tpu.memory_space<hbm>>
      %dma_wait3A_37 = tpu.memref_squeeze %dma_wait3A_36 : memref<1x632x64xf32, #tpu.memory_space<hbm>> -> memref<632x64xf32, #tpu.memory_space<hbm>>
      %dma_wait3A_38 = arith.constant 0 : i32
      %dma_wait3A_39 = tpu.memref_slice %arg13[%mul3A_4, %dma_wait3A_38] : memref<10112x64xf32, #tpu.memory_space<vmem_shared>> -> memref<632x64xf32, #tpu.memory_space<vmem_shared>>
      tpu.wait_dma2 semaphore(%run_scoped3A : memref<!tpu.dma_semaphore, #tpu.memory_space<semaphore_mem>>) src(%dma_wait3A_39 : memref<632x64xf32, #tpu.memory_space<vmem_shared>>) dst(%dma_wait3A_37 : memref<632x64xf32, #tpu.memory_space<hbm>>)
      tpu.yield
    }) : () -> ()
    return
  }
}

module attributes {stable_mosaic.version = 14 : i64} {
  func.func @body(%arg0: memref<10000x128xf32, #tpu.memory_space<vmem>>, %arg1: memref<128x128xf32, #tpu.memory_space<vmem>>, %arg2: memref<10000x128xf32, #tpu.memory_space<vmem>>) attributes {dimension_semantics = [], scalar_prefetch = 0 : i64, scratch_operands = 0 : i64, tpu.core_type = #tpu.core_type<tc>} {
    %get3A = arith.constant 0 : index
    %get3A_0 = arith.constant 0 : index
    %get3A_1 = vector.load %arg0[%get3A, %get3A_0] : memref<10000x128xf32, #tpu.memory_space<vmem>>, vector<10000x128xf32>
    %get3A_2 = arith.constant 0 : index
    %get3A_3 = arith.constant 0 : index
    %get3A_4 = vector.load %arg1[%get3A_2, %get3A_3] : memref<128x128xf32, #tpu.memory_space<vmem>>, vector<128x128xf32>
    %dot_general3A = arith.constant dense<0.000000e+00> : vector<10000x128xf32>
    %dot_general3A_5 = tpu.matmul %get3A_1, %get3A_4, %dot_general3A {dimension_numbers = #tpu.dot_dimension_numbers<[1], [0], [0], [1], [0, 0, 1, 1], [], []>, precision = #tpu.contract_precision<fp32>, transpose_lhs_hint = false} : vector<10000x128xf32>, vector<128x128xf32>, vector<10000x128xf32> -> vector<10000x128xf32>
    %swap3A = arith.constant 0 : index
    %swap3A_6 = arith.constant 0 : index
    %swap3A_7 = vector.load %arg2[%swap3A, %swap3A_6] : memref<10000x128xf32, #tpu.memory_space<vmem>>, vector<10000x128xf32>
    tpu.vector_store %arg2[%swap3A, %swap3A_6], %dot_general3A_5 {strides = array<i32>} : memref<10000x128xf32, #tpu.memory_space<vmem>>, vector<10000x128xf32>,
    return
  }
}

module attributes {stable_mosaic.version = 14 : i64} {
  func.func @body(%arg0: memref<10000x128xf32, #tpu.memory_space<vmem>>, %arg1: memref<32x10000xf32, #tpu.memory_space<vmem>>, %arg2: memref<10000x128xf32, #tpu.memory_space<vmem>>, %arg3: memref<10000x1xf32, #tpu.memory_space<vmem>>) attributes {dimension_semantics = [], scalar_prefetch = 0 : i64, scratch_operands = 0 : i64, tpu.core_type = #tpu.core_type<tc>} {
    %get3A = arith.constant 0 : index
    %get3A_0 = arith.constant 0 : index
    %get3A_1 = vector.load %arg1[%get3A, %get3A_0] : memref<32x10000xf32, #tpu.memory_space<vmem>>, vector<32x10000xf32>
    %reduce_sum3A = arith.constant dense<0.000000e+00> : vector<10000xf32>
    %reduce_sum3A_2 = vector.multi_reduction <add>, %get3A_1, %reduce_sum3A [0] : vector<32x10000xf32> to vector<10000xf32>
    %broadcast_in_dim3A = vector.shape_cast %reduce_sum3A_2 : vector<10000xf32> to vector<10000x1xf32>
    %add3A = arith.constant 1.000000e+00 : f32
    %add3A_3 = vector.broadcast %add3A : f32 to vector<10000x1xf32>
    %add3A_4 = arith.addf %broadcast_in_dim3A, %add3A_3 : vector<10000x1xf32>
    %sqrt3A = math.sqrt %add3A_4 : vector<10000x1xf32>
    %div3A = arith.constant 1.000000e+00 : f32
    %div3A_5 = vector.broadcast %div3A : f32 to vector<10000x1xf32>
    %div3A_6 = arith.divf %div3A_5, %sqrt3A : vector<10000x1xf32>
    %swap3A = arith.constant 0 : index
    %swap3A_7 = arith.constant 0 : index
    %swap3A_8 = vector.load %arg3[%swap3A, %swap3A_7] : memref<10000x1xf32, #tpu.memory_space<vmem>>, vector<10000x1xf32>
    tpu.vector_store %arg3[%swap3A, %swap3A_7], %div3A_6 {strides = array<i32>} : memref<10000x1xf32, #tpu.memory_space<vmem>>, vector<10000x1xf32>,
    %get3A_9 = arith.constant 0 : index
    %get3A_10 = arith.constant 0 : index
    %get3A_11 = vector.load %arg0[%get3A_9, %get3A_10] : memref<10000x128xf32, #tpu.memory_space<vmem>>, vector<10000x128xf32>
    %mul3A = vector.broadcast %div3A_6 : vector<10000x1xf32> to vector<10000x128xf32>
    %mul3A_12 = arith.mulf %get3A_11, %mul3A : vector<10000x128xf32>
    %swap3A_13 = arith.constant 0 : index
    %swap3A_14 = arith.constant 0 : index
    %swap3A_15 = vector.load %arg2[%swap3A_13, %swap3A_14] : memref<10000x128xf32, #tpu.memory_space<vmem>>, vector<10000x128xf32>
    tpu.vector_store %arg2[%swap3A_13, %swap3A_14], %mul3A_12 {strides = array<i32>} : memref<10000x128xf32, #tpu.memory_space<vmem>>, vector<10000x128xf32>,
    return
  }
}

module attributes {stable_mosaic.version = 14 : i64} {
  func.func @body(%arg0: memref<10000x128xf32, #tpu.memory_space<vmem>>, %arg1: memref<10000x128xf32, #tpu.memory_space<vmem>>, %arg2: memref<10000x128xf32, #tpu.memory_space<vmem>>, %arg3: memref<10000x1xf32, #tpu.memory_space<vmem>>, %arg4: memref<128x64xf32, #tpu.memory_space<vmem>>, %arg5: memref<1x128xf32, #tpu.memory_space<vmem>>, %arg6: memref<10000x64xf32, #tpu.memory_space<vmem>>) attributes {dimension_semantics = [], scalar_prefetch = 0 : i64, scratch_operands = 0 : i64, tpu.core_type = #tpu.core_type<tc>} {
    %get3A = arith.constant 0 : index
    %get3A_0 = arith.constant 0 : index
    %get3A_1 = vector.load %arg3[%get3A, %get3A_0] : memref<10000x1xf32, #tpu.memory_space<vmem>>, vector<10000x1xf32>
    %get3A_2 = arith.constant 0 : index
    %get3A_3 = arith.constant 0 : index
    %get3A_4 = vector.load %arg0[%get3A_2, %get3A_3] : memref<10000x128xf32, #tpu.memory_space<vmem>>, vector<10000x128xf32>
    %get3A_5 = arith.constant 0 : index
    %get3A_6 = arith.constant 0 : index
    %get3A_7 = vector.load %arg1[%get3A_5, %get3A_6] : memref<10000x128xf32, #tpu.memory_space<vmem>>, vector<10000x128xf32>
    %add3A = arith.addf %get3A_4, %get3A_7 : vector<10000x128xf32>
    %get3A_8 = arith.constant 0 : index
    %get3A_9 = arith.constant 0 : index
    %get3A_10 = vector.load %arg2[%get3A_8, %get3A_9] : memref<10000x128xf32, #tpu.memory_space<vmem>>, vector<10000x128xf32>
    %add3A_11 = arith.addf %add3A, %get3A_10 : vector<10000x128xf32>
    %mul3A = vector.broadcast %get3A_1 : vector<10000x1xf32> to vector<10000x128xf32>
    %mul3A_12 = arith.mulf %add3A_11, %mul3A : vector<10000x128xf32>
    %get3A_13 = arith.constant 0 : index
    %get3A_14 = arith.constant 0 : index
    %get3A_15 = vector.load %arg5[%get3A_13, %get3A_14] : memref<1x128xf32, #tpu.memory_space<vmem>>, vector<1x128xf32>
    %add3A_16 = vector.broadcast %get3A_15 : vector<1x128xf32> to vector<10000x128xf32>
    %add3A_17 = arith.addf %mul3A_12, %add3A_16 : vector<10000x128xf32>
    %max3A = arith.constant 0.000000e+00 : f32
    %max3A_18 = vector.broadcast %max3A : f32 to vector<10000x128xf32>
    %max3A_19 = arith.maximumf %add3A_17, %max3A_18 : vector<10000x128xf32>
    %get3A_20 = arith.constant 0 : index
    %get3A_21 = arith.constant 0 : index
    %get3A_22 = vector.load %arg4[%get3A_20, %get3A_21] : memref<128x64xf32, #tpu.memory_space<vmem>>, vector<128x64xf32>
    %dot_general3A = arith.constant dense<0.000000e+00> : vector<10000x64xf32>
    %dot_general3A_23 = tpu.matmul %max3A_19, %get3A_22, %dot_general3A {dimension_numbers = #tpu.dot_dimension_numbers<[1], [0], [0], [1], [0, 0, 1, 1], [], []>, precision = #tpu.contract_precision<fp32>, transpose_lhs_hint = false} : vector<10000x128xf32>, vector<128x64xf32>, vector<10000x64xf32> -> vector<10000x64xf32>
    %mul3A_24 = vector.broadcast %get3A_1 : vector<10000x1xf32> to vector<10000x64xf32>
    %mul3A_25 = arith.mulf %dot_general3A_23, %mul3A_24 : vector<10000x64xf32>
    %swap3A = arith.constant 0 : index
    %swap3A_26 = arith.constant 0 : index
    %swap3A_27 = vector.load %arg6[%swap3A, %swap3A_26] : memref<10000x64xf32, #tpu.memory_space<vmem>>, vector<10000x64xf32>
    tpu.vector_store %arg6[%swap3A, %swap3A_26], %mul3A_25 {strides = array<i32>} : memref<10000x64xf32, #tpu.memory_space<vmem>>, vector<10000x64xf32>,
    return
  }
}

module attributes {stable_mosaic.version = 14 : i64} {
  func.func @body(%arg0: memref<10000x64xf32, #tpu.memory_space<vmem>>, %arg1: memref<10000x64xf32, #tpu.memory_space<vmem>>, %arg2: memref<10000x64xf32, #tpu.memory_space<vmem>>, %arg3: memref<10000x1xf32, #tpu.memory_space<vmem>>, %arg4: memref<1x64xf32, #tpu.memory_space<vmem>>, %arg5: memref<10000x64xf32, #tpu.memory_space<vmem>>) attributes {dimension_semantics = [], scalar_prefetch = 0 : i64, scratch_operands = 0 : i64, tpu.core_type = #tpu.core_type<tc>} {
    %get3A = arith.constant 0 : index
    %get3A_0 = arith.constant 0 : index
    %get3A_1 = vector.load %arg0[%get3A, %get3A_0] : memref<10000x64xf32, #tpu.memory_space<vmem>>, vector<10000x64xf32>
    %get3A_2 = arith.constant 0 : index
    %get3A_3 = arith.constant 0 : index
    %get3A_4 = vector.load %arg1[%get3A_2, %get3A_3] : memref<10000x64xf32, #tpu.memory_space<vmem>>, vector<10000x64xf32>
    %add3A = arith.addf %get3A_1, %get3A_4 : vector<10000x64xf32>
    %get3A_5 = arith.constant 0 : index
    %get3A_6 = arith.constant 0 : index
    %get3A_7 = vector.load %arg2[%get3A_5, %get3A_6] : memref<10000x64xf32, #tpu.memory_space<vmem>>, vector<10000x64xf32>
    %add3A_8 = arith.addf %add3A, %get3A_7 : vector<10000x64xf32>
    %get3A_9 = arith.constant 0 : index
    %get3A_10 = arith.constant 0 : index
    %get3A_11 = vector.load %arg3[%get3A_9, %get3A_10] : memref<10000x1xf32, #tpu.memory_space<vmem>>, vector<10000x1xf32>
    %mul3A = vector.broadcast %get3A_11 : vector<10000x1xf32> to vector<10000x64xf32>
    %mul3A_12 = arith.mulf %add3A_8, %mul3A : vector<10000x64xf32>
    %get3A_13 = arith.constant 0 : index
    %get3A_14 = arith.constant 0 : index
    %get3A_15 = vector.load %arg4[%get3A_13, %get3A_14] : memref<1x64xf32, #tpu.memory_space<vmem>>, vector<1x64xf32>
    %add3A_16 = vector.broadcast %get3A_15 : vector<1x64xf32> to vector<10000x64xf32>
    %add3A_17 = arith.addf %mul3A_12, %add3A_16 : vector<10000x64xf32>
    %reduce_max3A = arith.constant dense<0xFF800000> : vector<10000xf32>
    %reduce_max3A_18 = vector.multi_reduction <maximumf>, %add3A_17, %reduce_max3A [1] : vector<10000x64xf32> to vector<10000xf32>
    %broadcast_in_dim3A = vector.shape_cast %reduce_max3A_18 : vector<10000xf32> to vector<10000x1xf32>
    %sub3A = vector.broadcast %broadcast_in_dim3A : vector<10000x1xf32> to vector<10000x64xf32>
    %sub3A_19 = arith.subf %add3A_17, %sub3A : vector<10000x64xf32>
    %exp3A = math.exp %sub3A_19 : vector<10000x64xf32>
    %reduce_sum3A = arith.constant dense<0.000000e+00> : vector<10000xf32>
    %reduce_sum3A_20 = vector.multi_reduction <add>, %exp3A, %reduce_sum3A [1] : vector<10000x64xf32> to vector<10000xf32>
    %broadcast_in_dim3A_21 = vector.shape_cast %reduce_sum3A_20 : vector<10000xf32> to vector<10000x1xf32>
    %log3A = math.log %broadcast_in_dim3A_21 : vector<10000x1xf32>
    %sub3A_22 = vector.broadcast %log3A : vector<10000x1xf32> to vector<10000x64xf32>
    %sub3A_23 = arith.subf %sub3A_19, %sub3A_22 : vector<10000x64xf32>
    %swap3A = arith.constant 0 : index
    %swap3A_24 = arith.constant 0 : index
    %swap3A_25 = vector.load %arg5[%swap3A, %swap3A_24] : memref<10000x64xf32, #tpu.memory_space<vmem>>, vector<10000x64xf32>
    tpu.vector_store %arg5[%swap3A, %swap3A_24], %sub3A_23 {strides = array<i32>} : memref<10000x64xf32, #tpu.memory_space<vmem>>, vector<10000x64xf32>,
    return
  }
}

</mosaic_0001>

<sc_bundles>
// kernel: kernel.12.cloned.1.call-start
scs
__scs_entry_jumppad:
0x0: {  	(pc) =	sbr.rel $0x88, $3  }
0x1: {  	(tag) =	ssettag $0x0;
	lr =	simm.s32 $0x1  }
0x2: {  	[smem:$0x3F9B] =	sst lr;
	_ =	strace $0xD0000000  }
0x3: {  	_ = 	snop  }
0x4: {  	_ = 	snop  }
0x5: {  	_ = 	snop  }
0x6: {  	_ = 	snop  }
0x7: {  	_ = 	snop  }
__scs_overlays_trampoline_lowered:
0x8: {  	[smem:$0x3FAA] =	sst s0  }
0x9: {  	[smem:$0x3FAB] =	sst s1  }
0xa: {  	[smem:$0x3FAC] =	sst s2  }
0xb: {  	[smem:$0x3FAD] =	sst s3  }
0xc: {  	[smem:$0x3FAE] =	sst s4  }
0xd: {  	[smem:$0x3FAF] =	sst s5  }
0xe: {  	[smem:$0x3FB0] =	sst s6  }
0xf: {  	[smem:$0x3FB1] =	sst s7  }
0x10: {  	[smem:$0x3FB2] =	sst s8  }
0x11: {  	[smem:$0x3FB3] =	sst s9;
	s0 =	simm.s32 @!p0 $0x0  }
0x12: {  	s1 =	sld [smem:$0x3F99];
	s0 =	simm.s32 @p0 $0x1  }
0x13: {  	[smem:$0x3FB4] =	sst s0;
	s0 =	simm.s32 @!p1 $0x0  }
0x14: {  	s2 =	sld [smem:$0x3F98];
	s0 =	simm.s32 @p1 $0x1  }
0x15: {  	[smem:$0x3FB5] =	sst s0;
	s0 =	simm.s32 @!p2 $0x0  }
0x16: {  	s3 =	sld [smem:$0x3FDB];
	s0 =	simm.s32 @p2 $0x1  }
0x17: {  	s4 =	simm.s32 $0x1BF5;
	[smem:$0x3FB7] =	sst s0  }
0x18: {  	s0 =	sld [smem:$0x3F9A];
	_ =	swait.ge [sflag:s4], $0x0  }
0x19: {  	s7 =	sld [smem:$0x3F9B]  }
0x1a: {  	s8 =	sadd.s32 $0xFFFFE003, lr  }
0x1b: {  	s9 =	sadd.s32 $0xFFFFFEF7, lr;
	s5 =	simm.s32 $0xFFFFFFFF;
	p2 =	slt.u32 s8, $0xFFFFF086  }
0x1c: {  	p1 =	slt.u32 s9, $0xF7A;
	s5 =	simm.s32 @!p2 $0x0  }
0x1d: {  	s5 =	simm.s32 @p1 $0x1;
	p0 =	seq.s32 s7, s2  }
0x1e: {  	s7 =	smul.u32 @!p0 $0xF7A, s2;
	p2 =	seq.s32 @!p0 s5, $0x0  }
0x1f: {  	s9 =	smul.u32 $0xF7A, s1;
	s8 =	simm.s32 @!p0 $0x1BF5;
	p2 =	por !p2, p0  }
0x20: {  	[sflag:s8] =	ssyncset.s32 @!p0 $0xFFFFF086;
	s6 =	sadd.s32 @!p0 s3, s7;
	s7 =	simm.s32 @!p0 $0x108  }
0x21: {  	s3 =	sadd.s32 s3, s9;
	s6 =	sadd.s32 @!p0 $0x88, s6;
	s7 =	simm.s32 @p2 $0x1082  }
0x22: {  	[simem:s7], [sflag:s8] =	dma.local @!p0 [hbm:s6], $0xF7A  }
0x23: {  	s9 =	sor.u32 $0xD0000000, s2;
	s6 =	simm.s32 $0x108;
	_ =	swait.ge @!p0 [sflag:s8], $0x0  }
0x24: {  	s3 =	sadd.s32 $0x88, s3;
	s6 =	simm.s32 @!p1 $0x1082;
	[sflag:s4] =	ssyncset.s32 $0xFFFFF086  }
0x25: {  	[simem:s6], [sflag:s4] =	dma.local [hbm:s3], $0xF7A  }
0x26: {  	[smem:$0x3F9B] =	sst s1;
	(tag) =	ssettag s2;
	_ =	strace s9  }
0x27: {  	s1 =	sld [smem:$0x3FAB]  }
0x28: {  	s2 =	sld [smem:$0x3FAC]  }
0x29: {  	s4 =	sld [smem:$0x3FAE]  }
0x2a: {  	p0 =	seq.s32 s5, $0x0;
	s5 =	sld [smem:$0x3FAF]  }
0x2b: {  	s6 =	sld [smem:$0x3FB0]  }
0x2c: {  	s7 =	sld [smem:$0x3FB1]  }
0x2d: {  	s3 =	simm.s32 $0x108;
	s8 =	sld [smem:$0x3FB2]  }
0x2e: {  	s3 =	simm.s32 @!p0 $0x1082;
	s9 =	sld [smem:$0x3FB3]  }
0x2f: {  	lr =	sadd.s32 s0, s3;
	s0 =	sld [smem:$0x3FAA]  }
0x30: {  	s3 =	sld [smem:$0x3FAD]  }
0x31: {  	[smem:$0x3FB6] =	sst s10  }
0x32: {  	s10 =	sld [smem:$0x3FB4];
	_ =	sdelay $0x3  }
0x33: {  	p0 =	seq.s32 s10, $0x1;
	s10 =	sld [smem:$0x3FB6];
	_ =	sdelay $0x3  }
0x34: {  	[smem:$0x3FB6] =	sst s10  }
0x35: {  	s10 =	sld [smem:$0x3FB5];
	_ =	sdelay $0x3  }
0x36: {  	p1 =	seq.s32 s10, $0x1;
	s10 =	sld [smem:$0x3FB6];
	_ =	sdelay $0x3  }
0x37: {  	[smem:$0x3FB6] =	sst s10  }
0x38: {  	s10 =	sld [smem:$0x3FB7]  }
0x39: {  	_ = 	snop;
	(pc) =	sbr.ind lr, $3  }
0x3a: {  	_ = 	snop  }
0x3b: {  	_ = 	snop  }
0x3c: {  	p2 =	seq.s32 s10, $0x1;
	s10 =	sld [smem:$0x3FB6]  }
0x3d: {  	_ =	shalt  }
0x3e: {  	_ =	shalt  }
0x3f: {  	_ =	shalt  }
0x40: {  	_ =	shalt  }
0x41: {  	_ =	shalt  }
0x42: {  	_ =	shalt  }
0x43: {  	_ =	shalt  }
0x44: {  	_ =	shalt  }
0x45: {  	_ =	shalt  }
0x46: {  	_ =	shalt  }
0x47: {  	_ =	shalt  }
0x48: {  	_ =	shalt  }
0x49: {  	_ =	shalt  }
0x4a: {  	_ =	shalt  }
0x4b: {  	_ =	shalt  }
0x4c: {  	_ =	shalt  }
0x4d: {  	_ =	shalt  }
0x4e: {  	_ =	shalt  }
0x4f: {  	_ =	shalt  }
0x50: {  	_ =	shalt  }
0x51: {  	_ =	shalt  }
0x52: {  	_ =	shalt  }
0x53: {  	_ =	shalt  }
0x54: {  	_ =	shalt  }
0x55: {  	_ =	shalt  }
0x56: {  	_ =	shalt  }
0x57: {  	_ =	shalt  }
0x58: {  	_ =	shalt  }
0x59: {  	_ =	shalt  }
0x5a: {  	_ =	shalt  }
0x5b: {  	_ =	shalt  }
0x5c: {  	_ =	shalt  }
0x5d: {  	_ =	shalt  }
0x5e: {  	_ =	shalt  }
0x5f: {  	_ =	shalt  }
0x60: {  	_ =	shalt  }
0x61: {  	_ =	shalt  }
0x62: {  	_ =	shalt  }
0x63: {  	_ =	shalt  }
0x64: {  	_ =	shalt  }
0x65: {  	_ =	shalt  }
0x66: {  	_ =	shalt  }
0x67: {  	_ =	shalt  }
0x68: {  	_ =	shalt  }
0x69: {  	_ =	shalt  }
0x6a: {  	_ =	shalt  }
0x6b: {  	_ =	shalt  }
0x6c: {  	_ =	shalt  }
0x6d: {  	_ =	shalt  }
0x6e: {  	_ =	shalt  }
0x6f: {  	_ =	shalt  }
0x70: {  	_ =	shalt  }
0x71: {  	_ =	shalt  }
0x72: {  	_ =	shalt  }
0x73: {  	_ =	shalt  }
0x74: {  	_ =	shalt  }
0x75: {  	_ =	shalt  }
0x76: {  	_ =	shalt  }
0x77: {  	_ =	shalt  }
0x78: {  	_ =	shalt  }
0x79: {  	_ =	shalt  }
0x7a: {  	_ =	shalt  }
0x7b: {  	_ =	shalt  }
0x7c: {  	_ =	shalt  }
0x7d: {  	_ =	shalt  }
0x7e: {  	_ =	shalt  }
0x7f: {  	_ =	shalt  }
0x80: {  	_ =	shalt  }
0x81: {  	_ =	shalt  }
0x82: {  	_ =	shalt  }
0x83: {  	_ =	shalt  }
0x84: {  	_ =	shalt  }
0x85: {  	_ =	shalt  }
0x86: {  	_ =	shalt  }
0x87: {  	_ =	shalt  }
.Lfunc_end0:
.L_simem_size_0:
called_computation.1_lowered:
.L_overlay_start_0:
0x88: {  	s2 =	sld [smem:$0x3FD9]  }
0x89: {  	s3 =	sld [smem:$0x3FFE];
	_ =	sdelay $0x1  }
0x8a: {  	s1 =	srdreg.scid  }
0x8b: {  	s0 =	sand.u32 $0x1, s1  }
0x8c: {  	s16 =	sshll.u32 s0, $0xA;
	s2 =	sadd.s32 s3, s2  }
0x8d: {  	s2 =	sadd.s32 s2, s16  }
0x8e: {  	[smem:$0x3FC2] =	sst s2  }
0x8f: {  	_ = 	snop  }
0x90: {  	(tm) =	ssettm $0x1  }
0x91: {  	s17 =	sld [smem:$0x3FFB];
	_ =	sdelay $0x3  }
0x92: {  	_ =	strace s17  }
0x93: {  	s2 =	sld [smem:$0x3FFC];
	_ =	sdelay $0x3  }
0x94: {  	_ =	strace s2  }
0x95: {  	s2 =	sld [smem:$0x3FFD];
	_ =	sdelay $0x3  }
0x96: {  	_ =	strace s2  }
0x97: {  	_ =	strace $0x8FFFFFFF  }
0x98: {  	s18 =	sld [smem:$0x3FDB];
	_ =	sdelay $0x1  }
0x99: {  	s19 =	simm.s32 $_scs_section_size  }
0x9a: {  	s4 =	simm.s32 $_size__tile_overlayer_lowered;
	s5 =	simm.s32 $_tile_overlayer_lowered  }
0x9b: {  	s22 =	simm.s32 $0x1BFF;
	s21 =	sshll.u32 s5, $0x1;
	s2 =	sadd.s32 s19, s18  }
0x9c: {  	s6 =	simm.s32 $0x0;
	s20 =	sshll.u32 s4, $0x1;
	s4 =	sadd.s32 s21, s2  }
0x9d: {  	[timem:s6], [sflag:s22] =	dma.local [hbm:s4], s20  }
0x9e: {  	_ =	swait.ge [sflag:s22], s20  }
0x9f: {  	s3 =	ssub.s32 $0x0, s20;
	[sflag:s22] =	ssyncset.done $0x0  }
0xa0: {  	[sflag:s22] =	ssyncadd.s32 s3;
	_ =	sdelay $0x1  }
0xa1: {  	s23 =	simm.s32 $0x1B8B  }
0xa2: {  	_ =	swait.ge [sflag:s23], $0x1  }
0xa3: {  	[sflag:s23] =	ssyncset.done $0x0  }
0xa4: {  	s25 =	simm.s32 $0x1B8E;
	s24 =	sld [smem:$0x3FFE];
	[sflag:s23] =	ssyncadd.s32 $0xFFFFFFFF  }
0xa5: {  	s26 =	simm.s32 $execute0_lowered;
	[smem:$0x3FD2] =	sst s25  }
0xa6: {  	s4 =	sshll.u32 s26, $0x1;
	_ =	strace $0x80000049;
	[dreg:$0x1] =	wrdreg $0xFFFFFFFF  }
0xa7: {  	s28 =	simm.s32 $_size_execute0_lowered;
	s2 =	sadd.s32 s2, s4;
	[dreg:$0x0] =	wrdreg $0x0  }
0xa8: {  	s4 =	sshll.u32 s28, $0x1;
	[dreg:$0x2] =	wrdreg s2  }
0xa9: {  	[dreg:$0x3] =	wrdreg s4  }
0xaa: {  	[dreg:$0x4] =	wrdreg $0xC0  }
0xab: {  	_ =	task [dreg:s6], $0x5FFFF  }
0xac: {  	[dreg:$0x1] =	wrdreg $0xFFFFFFFF  }
0xad: {  	[dreg:$0x0] =	wrdreg $0x60  }
0xae: {  	[dreg:$0x2] =	wrdreg s24  }
0xaf: {  	[dreg:$0x3] =	wrdreg $0x52000  }
0xb0: {  	[dreg:$0x4] =	wrdreg $0x9  }
0xb1: {  	_ =	task.clear_ibuf [dreg:s6], $0x5FFFF;
	_ =	strace $0x90000049  }
0xb2: {  	s29 =	simm.s32 $0x9;
	_ =	strace $0x8000004B  }
0xb3: {  	_ =	swait.ge [sflag:s29], $0x1  }
0xb4: {  	[sflag:s29] =	ssyncadd.s32 $0xFFFFFFFF  }
0xb5: {  	_ =	strace $0x9000004B  }
0xb6: {  	_ =	sfence  }
0xb7: {  	s30 =	sld [smem:$0x0];
	_ =	sdelay $0x2  }
0xb8: {  	s31 =	sshll.u32 s1, $0xD;
	s1 =	sshrl.u32 s1, $0x2  }
0xb9: {  	s3 =	sand.u32 $0x4000, s31;
	s1 =	sadd.s32 s1, s30  }
0xba: {  	s0 =	sor.u32 s3, s0;
	s1 =	sshll.u32 s1, $0x11  }
0xbb: {  	s0 =	sor.u32 s1, s0  }
0xbc: {  	s0 =	sadd.s32 $0x8F2B, s0  }
0xbd: {  	[sflag:s0] =	ssyncadd.remote.s32 $0x1  }
0xbe: {  	_ =	sfence.sel $0xFFFF  }
0xbf: {  	[dreg:$0x0] =	wrdreg $0xFFFFFFFF;
	(pc) =	sbr.abs _section_cstart, $3  }
0xc0: {  	[dreg:$0x1] =	wrdreg $0xFFFFFFFF  }
0xc1: {  	_ =	task.clear_ibuf [dreg:s6], $0x2FFFF;
	_ =	strace $0x9FFFFFFF  }
0xc2: {  	(tm) =	ssettm $0x7FFFFFFF  }
0xc3: {  	_ =	shalt  }
tec
execute0_lowered:
.L_overlay_start_1:
0x0: {  	(tag) =	ssettag $0x1  }
0x1: {  	s0 =	rddreg [dreg:$0x0]  }
0x2: {  	s2 =	rddreg [dreg:$0x1];
	s3 =	simm.s32 $0x0;
	s13 =	stileid.u32  }
0x3: {  	s1 =	srdreg.scid;
	s17 =	simm.s32 $0x5;
	s18 =	simm.s32 $0x100  }
0x4: {  	s19 =	simm.s32 $0x3;
	s20 =	simm.s32 $0x50;
	s28 =	simm.s32 $0x2  }
0x5: {  	s29 =	simm.s32 $0x0;
	[smem:$0x7FF] =	sst s3;
	s7 =	smul.u32 $0x13C00, s13  }
0x6: {  	s1 =	sand.u32 $0x1, s1;
	s4 =	sadd.s32 $0x16200, s0;
	s10 =	smul.u32 $0x4F000, s13  }
0x7: {  	s5 =	sadd.s32 $0x2600, s0;
	s6 =	sadd.s32 $0xC400, s0;
	s23 =	smul.u32 $0x2710, s13  }
0x8: {  	s25 =	sshll.u32 s13, $0x6;
	_ =	strace $0x8000004A;
	s8 =	smul.u32 $0x13C000, s1  }
0x9: {  	s21 =	sshll.u32 s1, $0x4;
	s22 =	ssub.s32 $0x2, s1;
	s1 =	smul.u32 $0x27100, s1  }
0xa: {  	s9 =	sshrl.u32 s7, $0x3;
	s11 =	sshrl.u32 s22, $0x1;
	s10 =	sshrl.u32 s10, $0x2  }
0xb: {  	s9 =	sadd.s32 s9, s0;
	s7 =	sadd.s32 s7, s8;
	s8 =	sor.u32 s13, s21  }
0xc: {  	s12 =	ssub.s32 s22, s11;
	s16 =	sadd.s32 s10, s2;
	s1 =	sadd.s32 s23, s1  }
0xd: {  	s21 =	simm.s32 $0x200;
	s22 =	simm.s32 $0x80;
	s23 =	simm.s32 $0x180  }
0xe: {  	s7 =	sshrl.u32 s7, $0x3;
	s8 =	smul.u32 $0x2710, s8;
	s24 =	sadd.s32 $0x64600, s9  }
0xf: {  	s31 =	sadd.s32 $0x50, s1;
	s12 =	smax.u32 s12, $0x1;
	s13 =	sadd.s32 $0xA0, s1  }
0x10: {  	s16 =	sshrl.u32 s16, $0x3;
	s0 =	sadd.s32 s7, s0;
	[dreg:$0x3] =	wrdreg s24  }
0x11: {  	s24 =	simm.s32 $0x4;
	s26 =	sshrl.u32 s8, $0x3;
	s8 =	sor.u32 $0x1C05, s25  }
0x12: {  	s11 =	sadd.s32 $0x8BE00, s0;
	s0 =	sshrl.u32 s31, $0x3;
	s25 =	simm.s32 $0x2A00  }
0x13: {  	s30 =	sadd.s32 s5, s26;
	s10 =	sadd.s32 s6, s26;
	s14 =	sadd.s32 s0, s6  }
0x14: {  	s15 =	sadd.s32 s0, s5;
	s26 =	simm.s32 $0x1;
	[dreg:$0x4] =	wrdreg s30  }
.LBB2_1:
0x15: {  	s0 =	rddreg [dreg:$0x3]  }
0x16: {  	[spmem:s16], [sflag:s8] =	dma.local [hbm:s0], $0x2780  }
0x17: {  	_ =	swait.ge [sflag:s17], $0x2780  }
0x18: {  	[sflag:s17] =	ssyncset.done $0x0  }
0x19: {  	[sflag:s17] =	ssyncadd.s32 $0xFFFFD880  }
0x1a: {  	[bflag:$0x0] =	sbarrier.arrive $0xFFFF  }
0x1b: {  	s9 =	rddreg [dreg:$0x4]  }
0x1c: {  	[tilespmem:s3], [sflag:$0x3] =	stream.linear.gather [hbm4b:s9+s3], $0x50, $0x38;
	[tilespmem:$0x18E00] =	vst v63  }
0x1d: {  	_ = 	snop  }
0x1e: {  	[tilespmem:s18], [sflag:$0x3] =	stream.linear.gather [hbm4b:s10+s3], $0x50, $0x38;
	[tilespmem:$0x18E00] =	vst v63  }
0x1f: {  	_ =	swait.ge [sflag:s19], $0x50  }
0x20: {  	[sflag:s19] =	ssyncset.done $0x0  }
0x21: {  	[sflag:s19] =	ssyncadd.s32 $0xFFFFFFB0  }
0x22: {  	_ =	swait.ge [sflag:s19], $0x50  }
0x23: {  	[sflag:s19] =	ssyncset.done $0x0  }
0x24: {  	[sflag:s19] =	ssyncadd.s32 $0xFFFFFFB0  }
0x25: {  	[tilespmem:s21], [sflag:$0x1] =	stream.indirect.gather [hbm4b:s4+s20], $0x80, s3, s20, $0xb8;
	[tilespmem:$0x18E00] =	vst v63  }
0x26: {  	s1 =	sadd.s32 $0x0, s15  }
0x27: {  	[tilespmem:s22], [sflag:$0x4] =	stream.linear.gather [hbm4b:s1+s3], $0x50, $0x38;
	[tilespmem:$0x18E00] =	vst v63  }
0x28: {  	s7 =	sadd.s32 $0x0, s14  }
0x29: {  	[tilespmem:s23], [sflag:$0x4] =	stream.linear.gather [hbm4b:s7+s3], $0x50, $0x38;
	[tilespmem:$0x18E00] =	vst v63  }
0x2a: {  	_ =	swait.ge [sflag:s24], $0x50  }
0x2b: {  	[sflag:s24] =	ssyncset.done $0x0  }
0x2c: {  	[sflag:s24] =	ssyncadd.s32 $0xFFFFFFB0  }
0x2d: {  	_ =	swait.ge [sflag:s24], $0x50  }
0x2e: {  	[sflag:s24] =	ssyncset.done $0x0  }
0x2f: {  	[sflag:s24] =	ssyncadd.s32 $0xFFFFFFB0  }
0x30: {  	[tilespmem:s25], [sflag:$0x2] =	stream.indirect.gather [hbm4b:s4+s20], $0x80, s22, s20, $0xb8;
	[tilespmem:$0x18E00] =	vst v63  }
0x31: {  	_ =	swait.ge [sflag:s26], $0x2800  }
0x32: {  	[sflag:s26] =	ssyncset.done $0x0  }
0x33: {  	[sflag:s26] =	ssyncadd.s32 $0xFFFFD800  }
0x34: {  	[spmem:s2] =	stream.indirect.scatter.add.f32 [tilespmem:s21], [sflag:$0x5], $0x80, s18, s20, $0xb8;
	[tilespmem:$0x18E00] =	vst v63  }
0x35: {  	_ =	swait.ge [sflag:s17], $0x2800  }
0x36: {  	s9 =	sshrl.u32 s13, $0x3;
	[sflag:s17] =	ssyncset.done $0x0  }
0x37: {  	s1 =	sadd.s32 s5, s9;
	[sflag:s17] =	ssyncadd.s32 $0xFFFFD800  }
0x38: {  	[tilespmem:s3], [sflag:$0x3] =	stream.linear.gather [hbm4b:s1+s3], $0x50, $0x38;
	[tilespmem:$0x18E00] =	vst v63  }
0x39: {  	s0 =	sadd.s32 s6, s9  }
0x3a: {  	[tilespmem:s18], [sflag:$0x3] =	stream.linear.gather [hbm4b:s0+s3], $0x50, $0x38;
	[tilespmem:$0x18E00] =	vst v63  }
0x3b: {  	_ =	swait.ge [sflag:s19], $0x50  }
0x3c: {  	[sflag:s19] =	ssyncset.done $0x0  }
0x3d: {  	[sflag:s19] =	ssyncadd.s32 $0xFFFFFFB0  }
0x3e: {  	_ =	swait.ge [sflag:s19], $0x50  }
0x3f: {  	[sflag:s19] =	ssyncset.done $0x0  }
0x40: {  	[sflag:s19] =	ssyncadd.s32 $0xFFFFFFB0  }
0x41: {  	[tilespmem:s21], [sflag:$0x1] =	stream.indirect.gather [hbm4b:s4+s20], $0x80, s3, s20, $0xb8;
	[tilespmem:$0x18E00] =	vst v63  }
0x42: {  	_ =	swait.ge [sflag:s28], $0x2800  }
0x43: {  	[sflag:s28] =	ssyncset.done $0x0  }
0x44: {  	[sflag:s28] =	ssyncadd.s32 $0xFFFFD800  }
0x45: {  	[spmem:s2] =	stream.indirect.scatter.add.f32 [tilespmem:s25], [sflag:$0x5], $0x80, s23, s20, $0xb8;
	[tilespmem:$0x18E00] =	vst v63  }
0x46: {  	s31 =	simm.s32 $0x14;
	_ =	swait.ge [sflag:s17], $0x2800  }
0x47: {  	s30 =	sadd.s32 $0xA0, s13;
	s0 =	simm.s32 $0x28;
	[sflag:s17] =	ssyncset.done $0x0  }
.LBB2_2:
0x48: {  	s7 =	sadd.s32 s31, s15  }
0x49: {  	[sflag:s17] =	ssyncadd.s32 $0xFFFFD800;
	s9 =	smov.u32 s0;
	s1 =	sadd.s32 $0x14, s0  }
0x4a: {  	[tilespmem:s22], [sflag:$0x4] =	stream.linear.gather [hbm4b:s7+s3], $0x50, $0x38;
	[tilespmem:$0x18E00] =	vst v63  }
0x4b: {  	p0 =	sne.s32 s0, $0x4C4;
	s0 =	sadd.s32 s31, s14;
	s31 =	smov.u32 s9  }
0x4c: {  	[tilespmem:s23], [sflag:$0x4] =	stream.linear.gather [hbm4b:s0+s3], $0x50, $0x38;
	[tilespmem:$0x18E00] =	vst v63  }
0x4d: {  	_ =	swait.ge [sflag:s24], $0x50  }
0x4e: {  	[sflag:s24] =	ssyncset.done $0x0  }
0x4f: {  	[sflag:s24] =	ssyncadd.s32 $0xFFFFFFB0  }
0x50: {  	_ =	swait.ge [sflag:s24], $0x50  }
0x51: {  	[sflag:s24] =	ssyncset.done $0x0  }
0x52: {  	[sflag:s24] =	ssyncadd.s32 $0xFFFFFFB0  }
0x53: {  	[tilespmem:s25], [sflag:$0x2] =	stream.indirect.gather [hbm4b:s4+s20], $0x80, s22, s20, $0xb8;
	[tilespmem:$0x18E00] =	vst v63  }
0x54: {  	_ =	swait.ge [sflag:s26], $0x2800  }
0x55: {  	[sflag:s26] =	ssyncset.done $0x0  }
0x56: {  	[sflag:s26] =	ssyncadd.s32 $0xFFFFD800  }
0x57: {  	[spmem:s2] =	stream.indirect.scatter.add.f32 [tilespmem:s21], [sflag:$0x5], $0x80, s18, s20, $0xb8;
	[tilespmem:$0x18E00] =	vst v63  }
0x58: {  	_ =	swait.ge [sflag:s17], $0x2800  }
0x59: {  	s0 =	sshrl.u32 s30, $0x3;
	[sflag:s17] =	ssyncset.done $0x0  }
0x5a: {  	s7 =	sadd.s32 s5, s0;
	[sflag:s17] =	ssyncadd.s32 $0xFFFFD800  }
0x5b: {  	[tilespmem:s3], [sflag:$0x3] =	stream.linear.gather [hbm4b:s7+s3], $0x50, $0x38;
	[tilespmem:$0x18E00] =	vst v63  }
0x5c: {  	s0 =	sadd.s32 s6, s0  }
0x5d: {  	[tilespmem:s18], [sflag:$0x3] =	stream.linear.gather [hbm4b:s0+s3], $0x50, $0x38;
	[tilespmem:$0x18E00] =	vst v63  }
0x5e: {  	_ =	swait.ge [sflag:s19], $0x50  }
0x5f: {  	[sflag:s19] =	ssyncset.done $0x0  }
0x60: {  	[sflag:s19] =	ssyncadd.s32 $0xFFFFFFB0  }
0x61: {  	_ =	swait.ge [sflag:s19], $0x50  }
0x62: {  	[sflag:s19] =	ssyncset.done $0x0  }
0x63: {  	[sflag:s19] =	ssyncadd.s32 $0xFFFFFFB0  }
0x64: {  	[tilespmem:s21], [sflag:$0x1] =	stream.indirect.gather [hbm4b:s4+s20], $0x80, s3, s20, $0xb8;
	[tilespmem:$0x18E00] =	vst v63  }
0x65: {  	_ =	swait.ge [sflag:s28], $0x2800  }
.Ltmp0:
0x66: {  	[sflag:s28] =	ssyncset.done $0x0;
	(pc) =	sbr.rel @p0 .LBB2_2-.Ltmp0, $4  }
0x67: {  	[sflag:s28] =	ssyncadd.s32 $0xFFFFD800  }
0x68: {  	[spmem:s2] =	stream.indirect.scatter.add.f32 [tilespmem:s25], [sflag:$0x5], $0x80, s23, s20, $0xb8;
	[tilespmem:$0x18E00] =	vst v63  }
0x69: {  	_ =	swait.ge [sflag:s17], $0x2800  }
0x6a: {  	s30 =	sadd.s32 $0xA0, s30;
	s0 =	smov.u32 s1;
	[sflag:s17] =	ssyncset.done $0x0  }
0x6b: {  	s0 =	sadd.s32 s31, s15;
	[sflag:s17] =	ssyncadd.s32 $0xFFFFD800  }
0x6c: {  	[tilespmem:s22], [sflag:$0x4] =	stream.linear.gather [hbm4b:s0+s3], $0x50, $0x38;
	[tilespmem:$0x18E00] =	vst v63  }
0x6d: {  	s9 =	sadd.s32 s31, s14  }
0x6e: {  	[tilespmem:s23], [sflag:$0x4] =	stream.linear.gather [hbm4b:s9+s3], $0x50, $0x38;
	[tilespmem:$0x18E00] =	vst v63  }
0x6f: {  	_ =	swait.ge [sflag:s24], $0x50  }
0x70: {  	[sflag:s24] =	ssyncset.done $0x0  }
0x71: {  	[sflag:s24] =	ssyncadd.s32 $0xFFFFFFB0  }
0x72: {  	_ =	swait.ge [sflag:s24], $0x50  }
0x73: {  	[sflag:s24] =	ssyncset.done $0x0  }
0x74: {  	[sflag:s24] =	ssyncadd.s32 $0xFFFFFFB0  }
0x75: {  	[tilespmem:s25], [sflag:$0x2] =	stream.indirect.gather [hbm4b:s4+s20], $0x80, s22, s20, $0xb8;
	[tilespmem:$0x18E00] =	vst v63  }
0x76: {  	_ =	swait.ge [sflag:s26], $0x2800  }
0x77: {  	[sflag:s26] =	ssyncset.done $0x0  }
0x78: {  	[sflag:s26] =	ssyncadd.s32 $0xFFFFD800  }
0x79: {  	[spmem:s2] =	stream.indirect.scatter.add.f32 [tilespmem:s21], [sflag:$0x5], $0x80, s18, s20, $0xb8;
	[tilespmem:$0x18E00] =	vst v63  }
0x7a: {  	_ =	swait.ge [sflag:s17], $0x2800  }
0x7b: {  	s31 =	sshrl.u32 s30, $0x3;
	[sflag:s17] =	ssyncset.done $0x0  }
0x7c: {  	s1 =	sadd.s32 s5, s31;
	[sflag:s17] =	ssyncadd.s32 $0xFFFFD800  }
0x7d: {  	[tilespmem:s3], [sflag:$0x3] =	stream.linear.gather [hbm4b:s1+s3], $0x50, $0x38;
	[tilespmem:$0x18E00] =	vst v63  }
0x7e: {  	s0 =	sadd.s32 s6, s31  }
0x7f: {  	[tilespmem:s18], [sflag:$0x3] =	stream.linear.gather [hbm4b:s0+s3], $0x50, $0x38;
	[tilespmem:$0x18E00] =	vst v63  }
0x80: {  	_ =	swait.ge [sflag:s19], $0x50  }
0x81: {  	[sflag:s19] =	ssyncset.done $0x0  }
0x82: {  	[sflag:s19] =	ssyncadd.s32 $0xFFFFFFB0  }
0x83: {  	_ =	swait.ge [sflag:s19], $0x50  }
0x84: {  	[sflag:s19] =	ssyncset.done $0x0  }
0x85: {  	[sflag:s19] =	ssyncadd.s32 $0xFFFFFFB0  }
0x86: {  	[tilespmem:s21], [sflag:$0x1] =	stream.indirect.gather [hbm4b:s4+s20], $0x80, s3, s20, $0xb8;
	[tilespmem:$0x18E00] =	vst v63  }
0x87: {  	_ =	swait.ge [sflag:s28], $0x2800  }
0x88: {  	[sflag:s28] =	ssyncset.done $0x0  }
0x89: {  	[sflag:s28] =	ssyncadd.s32 $0xFFFFD800  }
0x8a: {  	[spmem:s2] =	stream.indirect.scatter.add.f32 [tilespmem:s25], [sflag:$0x5], $0x80, s23, s20, $0xb8;
	[tilespmem:$0x18E00] =	vst v63  }
0x8b: {  	_ =	swait.ge [sflag:s17], $0x2800  }
0x8c: {  	[sflag:s17] =	ssyncset.done $0x0  }
0x8d: {  	[sflag:s17] =	ssyncadd.s32 $0xFFFFD800  }
0x8e: {  	_ =	swait.ge [sflag:s26], $0x2800  }
0x8f: {  	[sflag:s26] =	ssyncset.done $0x0  }
0x90: {  	[sflag:s26] =	ssyncadd.s32 $0xFFFFD800  }
0x91: {  	[spmem:s2] =	stream.indirect.scatter.add.f32 [tilespmem:s21], [sflag:$0x5], $0x80, s18, s20, $0xb8;
	[tilespmem:$0x18E00] =	vst v63  }
0x92: {  	_ =	swait.ge [sflag:s17], $0x2800  }
0x93: {  	s29 =	sadd.s32 $0x1, s29;
	[sflag:s17] =	ssyncset.done $0x0  }
0x94: {  	p0 =	sne.s32 s29, s12;
	[sflag:s17] =	ssyncadd.s32 $0xFFFFD800  }
.Ltmp1:
0x95: {  	[bflag:$0x0] =	sbarrier.arrive $0xFFFF;
	(pc) =	sbr.rel @p0 .LBB2_1-.Ltmp1, $4  }
0x96: {  	[hbm:s11], [sflag:s8] =	dma.local [spmem:s16], $0x2780  }
0x97: {  	_ =	swait.ge [sflag:s17], $0x2780  }
0x98: {  	[sflag:s17] =	ssyncset.done $0x0  }
0x99: {  	[sflag:s17] =	ssyncadd.s32 $0xFFFFD880  }
0x9a: {  	_ =	sfence.sel $0x180000  }
0x9b: {  	[bflag:$0x0] =	sbarrier.arrive $0xFFFF  }
0x9c: {  	_ =	strace $0x9000004A  }
0x9d: {  	s0 =	stileid.u32;
	[bflag:$0x2] =	sbarrier.arrive $0xFFFF  }
0x9e: {  	p0 =	sne.s32 s0, $0x0;
	s0 =	rddreg [dreg:$0x2]  }
0x9f: {  	s0 =	sadd.s32 @!p0 $0x100000, s0  }
0xa0: {  	[sflag:s0] =	ssyncadd.tile.s32 @!p0 $0x1;
	_ =	shalt  }
.Lfunc_end2:
_tile_overlayer_lowered:
.L_overlay_start_2:
0xa1: {  	(tag) =	ssettag $0x2  }
0xa2: {  	s0 =	rddreg [dreg:$0x0];
	s2 =	stileid.u32  }
0xa3: {  	s1 =	rddreg [dreg:$0x1];
	p0 =	sne.s32 s2, $0x0  }
0xa4: {  	s3 =	rddreg [dreg:$0x2];
	[bflag:$0x3] =	sbarrier.arrive $0xFFFF;
	s2 =	simm.s32 @!p0 $0x1C05  }
0xa5: {  	[timem:s3], [sflag:s2] =	dma.local @!p0 [hbm:s0], s1  }
0xa6: {  	s0 =	simm.s32 @!p0 $0x5  }
0xa7: {  	_ =	swait.ge @!p0 [sflag:s0], s1  }
0xa8: {  	s1 =	ssub.s32 @!p0 $0x0, s1;
	[sflag:s0] =	ssyncset.done @!p0 $0x0  }
0xa9: {  	[sflag:s0] =	ssyncadd.s32 @!p0 s1  }
0xaa: {  	[bflag:$0x3] =	sbarrier.arrive $0xFFFF  }
0xab: {  	_ =	shalt  }

// kernel: kernel.15.cloned.1.call-start
scs
__scs_entry_jumppad:
0x0: {  	(pc) =	sbr.rel $0x88, $3  }
0x1: {  	(tag) =	ssettag $0x0;
	lr =	simm.s32 $0x1  }
0x2: {  	[smem:$0x3F9B] =	sst lr;
	_ =	strace $0xD0000000  }
0x3: {  	_ = 	snop  }
0x4: {  	_ = 	snop  }
0x5: {  	_ = 	snop  }
0x6: {  	_ = 	snop  }
0x7: {  	_ = 	snop  }
__scs_overlays_trampoline_lowered:
0x8: {  	[smem:$0x3FAA] =	sst s0  }
0x9: {  	[smem:$0x3FAB] =	sst s1  }
0xa: {  	[smem:$0x3FAC] =	sst s2  }
0xb: {  	[smem:$0x3FAD] =	sst s3  }
0xc: {  	[smem:$0x3FAE] =	sst s4  }
0xd: {  	[smem:$0x3FAF] =	sst s5  }
0xe: {  	[smem:$0x3FB0] =	sst s6  }
0xf: {  	[smem:$0x3FB1] =	sst s7  }
0x10: {  	[smem:$0x3FB2] =	sst s8  }
0x11: {  	[smem:$0x3FB3] =	sst s9;
	s0 =	simm.s32 @!p0 $0x0  }
0x12: {  	s1 =	sld [smem:$0x3F99];
	s0 =	simm.s32 @p0 $0x1  }
0x13: {  	[smem:$0x3FB4] =	sst s0;
	s0 =	simm.s32 @!p1 $0x0  }
0x14: {  	s2 =	sld [smem:$0x3F98];
	s0 =	simm.s32 @p1 $0x1  }
0x15: {  	[smem:$0x3FB5] =	sst s0;
	s0 =	simm.s32 @!p2 $0x0  }
0x16: {  	s3 =	sld [smem:$0x3FDB];
	s0 =	simm.s32 @p2 $0x1  }
0x17: {  	s4 =	simm.s32 $0x1BF5;
	[smem:$0x3FB7] =	sst s0  }
0x18: {  	s0 =	sld [smem:$0x3F9A];
	_ =	swait.ge [sflag:s4], $0x0  }
0x19: {  	s7 =	sld [smem:$0x3F9B]  }
0x1a: {  	s8 =	sadd.s32 $0xFFFFE003, lr  }
0x1b: {  	s9 =	sadd.s32 $0xFFFFFEF7, lr;
	s5 =	simm.s32 $0xFFFFFFFF;
	p2 =	slt.u32 s8, $0xFFFFF086  }
0x1c: {  	p1 =	slt.u32 s9, $0xF7A;
	s5 =	simm.s32 @!p2 $0x0  }
0x1d: {  	s5 =	simm.s32 @p1 $0x1;
	p0 =	seq.s32 s7, s2  }
0x1e: {  	s7 =	smul.u32 @!p0 $0xF7A, s2;
	p2 =	seq.s32 @!p0 s5, $0x0  }
0x1f: {  	s9 =	smul.u32 $0xF7A, s1;
	s8 =	simm.s32 @!p0 $0x1BF5;
	p2 =	por !p2, p0  }
0x20: {  	[sflag:s8] =	ssyncset.s32 @!p0 $0xFFFFF086;
	s6 =	sadd.s32 @!p0 s3, s7;
	s7 =	simm.s32 @!p0 $0x108  }
0x21: {  	s3 =	sadd.s32 s3, s9;
	s6 =	sadd.s32 @!p0 $0x88, s6;
	s7 =	simm.s32 @p2 $0x1082  }
0x22: {  	[simem:s7], [sflag:s8] =	dma.local @!p0 [hbm:s6], $0xF7A  }
0x23: {  	s9 =	sor.u32 $0xD0000000, s2;
	s6 =	simm.s32 $0x108;
	_ =	swait.ge @!p0 [sflag:s8], $0x0  }
0x24: {  	s3 =	sadd.s32 $0x88, s3;
	s6 =	simm.s32 @!p1 $0x1082;
	[sflag:s4] =	ssyncset.s32 $0xFFFFF086  }
0x25: {  	[simem:s6], [sflag:s4] =	dma.local [hbm:s3], $0xF7A  }
0x26: {  	[smem:$0x3F9B] =	sst s1;
	(tag) =	ssettag s2;
	_ =	strace s9  }
0x27: {  	s1 =	sld [smem:$0x3FAB]  }
0x28: {  	s2 =	sld [smem:$0x3FAC]  }
0x29: {  	s4 =	sld [smem:$0x3FAE]  }
0x2a: {  	p0 =	seq.s32 s5, $0x0;
	s5 =	sld [smem:$0x3FAF]  }
0x2b: {  	s6 =	sld [smem:$0x3FB0]  }
0x2c: {  	s7 =	sld [smem:$0x3FB1]  }
0x2d: {  	s3 =	simm.s32 $0x108;
	s8 =	sld [smem:$0x3FB2]  }
0x2e: {  	s3 =	simm.s32 @!p0 $0x1082;
	s9 =	sld [smem:$0x3FB3]  }
0x2f: {  	lr =	sadd.s32 s0, s3;
	s0 =	sld [smem:$0x3FAA]  }
0x30: {  	s3 =	sld [smem:$0x3FAD]  }
0x31: {  	[smem:$0x3FB6] =	sst s10  }
0x32: {  	s10 =	sld [smem:$0x3FB4];
	_ =	sdelay $0x3  }
0x33: {  	p0 =	seq.s32 s10, $0x1;
	s10 =	sld [smem:$0x3FB6];
	_ =	sdelay $0x3  }
0x34: {  	[smem:$0x3FB6] =	sst s10  }
0x35: {  	s10 =	sld [smem:$0x3FB5];
	_ =	sdelay $0x3  }
0x36: {  	p1 =	seq.s32 s10, $0x1;
	s10 =	sld [smem:$0x3FB6];
	_ =	sdelay $0x3  }
0x37: {  	[smem:$0x3FB6] =	sst s10  }
0x38: {  	s10 =	sld [smem:$0x3FB7]  }
0x39: {  	_ = 	snop;
	(pc) =	sbr.ind lr, $3  }
0x3a: {  	_ = 	snop  }
0x3b: {  	_ = 	snop  }
0x3c: {  	p2 =	seq.s32 s10, $0x1;
	s10 =	sld [smem:$0x3FB6]  }
0x3d: {  	_ =	shalt  }
0x3e: {  	_ =	shalt  }
0x3f: {  	_ =	shalt  }
0x40: {  	_ =	shalt  }
0x41: {  	_ =	shalt  }
0x42: {  	_ =	shalt  }
0x43: {  	_ =	shalt  }
0x44: {  	_ =	shalt  }
0x45: {  	_ =	shalt  }
0x46: {  	_ =	shalt  }
0x47: {  	_ =	shalt  }
0x48: {  	_ =	shalt  }
0x49: {  	_ =	shalt  }
0x4a: {  	_ =	shalt  }
0x4b: {  	_ =	shalt  }
0x4c: {  	_ =	shalt  }
0x4d: {  	_ =	shalt  }
0x4e: {  	_ =	shalt  }
0x4f: {  	_ =	shalt  }
0x50: {  	_ =	shalt  }
0x51: {  	_ =	shalt  }
0x52: {  	_ =	shalt  }
0x53: {  	_ =	shalt  }
0x54: {  	_ =	shalt  }
0x55: {  	_ =	shalt  }
0x56: {  	_ =	shalt  }
0x57: {  	_ =	shalt  }
0x58: {  	_ =	shalt  }
0x59: {  	_ =	shalt  }
0x5a: {  	_ =	shalt  }
0x5b: {  	_ =	shalt  }
0x5c: {  	_ =	shalt  }
0x5d: {  	_ =	shalt  }
0x5e: {  	_ =	shalt  }
0x5f: {  	_ =	shalt  }
0x60: {  	_ =	shalt  }
0x61: {  	_ =	shalt  }
0x62: {  	_ =	shalt  }
0x63: {  	_ =	shalt  }
0x64: {  	_ =	shalt  }
0x65: {  	_ =	shalt  }
0x66: {  	_ =	shalt  }
0x67: {  	_ =	shalt  }
0x68: {  	_ =	shalt  }
0x69: {  	_ =	shalt  }
0x6a: {  	_ =	shalt  }
0x6b: {  	_ =	shalt  }
0x6c: {  	_ =	shalt  }
0x6d: {  	_ =	shalt  }
0x6e: {  	_ =	shalt  }
0x6f: {  	_ =	shalt  }
0x70: {  	_ =	shalt  }
0x71: {  	_ =	shalt  }
0x72: {  	_ =	shalt  }
0x73: {  	_ =	shalt  }
0x74: {  	_ =	shalt  }
0x75: {  	_ =	shalt  }
0x76: {  	_ =	shalt  }
0x77: {  	_ =	shalt  }
0x78: {  	_ =	shalt  }
0x79: {  	_ =	shalt  }
0x7a: {  	_ =	shalt  }
0x7b: {  	_ =	shalt  }
0x7c: {  	_ =	shalt  }
0x7d: {  	_ =	shalt  }
0x7e: {  	_ =	shalt  }
0x7f: {  	_ =	shalt  }
0x80: {  	_ =	shalt  }
0x81: {  	_ =	shalt  }
0x82: {  	_ =	shalt  }
0x83: {  	_ =	shalt  }
0x84: {  	_ =	shalt  }
0x85: {  	_ =	shalt  }
0x86: {  	_ =	shalt  }
0x87: {  	_ =	shalt  }
.Lfunc_end0:
.L_simem_size_0:
called_computation.2_lowered:
.L_overlay_start_0:
0x88: {  	s2 =	sld [smem:$0x3FD9]  }
0x89: {  	s3 =	sld [smem:$0x3FFE];
	_ =	sdelay $0x1  }
0x8a: {  	s1 =	srdreg.scid  }
0x8b: {  	s0 =	sand.u32 $0x1, s1  }
0x8c: {  	s17 =	sshll.u32 s0, $0xA;
	s2 =	sadd.s32 s3, s2  }
0x8d: {  	s2 =	sadd.s32 s2, s17  }
0x8e: {  	[smem:$0x3FC2] =	sst s2  }
0x8f: {  	_ = 	snop  }
0x90: {  	s2 =	sld [smem:$0x3FD0];
	(tm) =	ssettm $0x1  }
0x91: {  	s18 =	sld [smem:$0x3FFB];
	_ =	sdelay $0x3  }
0x92: {  	_ =	strace s18  }
0x93: {  	s3 =	sld [smem:$0x3FFC];
	_ =	sdelay $0x3  }
0x94: {  	_ =	strace s3  }
0x95: {  	s3 =	sld [smem:$0x3FFD];
	_ =	sdelay $0x3  }
0x96: {  	_ =	strace s3  }
0x97: {  	_ =	strace $0x8FFFFFFF  }
0x98: {  	s19 =	sld [smem:$0x3FDB];
	_ =	sdelay $0x1  }
0x99: {  	s4 =	simm.s32 $_scs_section_size  }
0x9a: {  	s5 =	simm.s32 $_size__tile_overlayer_lowered;
	s6 =	simm.s32 $_tile_overlayer_lowered  }
0x9b: {  	s22 =	simm.s32 $0x1BFF;
	s21 =	sshll.u32 s6, $0x1;
	s3 =	sadd.s32 s4, s19  }
0x9c: {  	s7 =	simm.s32 $0x0;
	s20 =	sshll.u32 s5, $0x1;
	s5 =	sadd.s32 s21, s3  }
0x9d: {  	[timem:s7], [sflag:s22] =	dma.local [hbm:s5], s20  }
0x9e: {  	_ =	swait.ge [sflag:s22], s20  }
0x9f: {  	s4 =	ssub.s32 $0x0, s20;
	[sflag:s22] =	ssyncset.done $0x0  }
0xa0: {  	[sflag:s22] =	ssyncadd.s32 s4;
	_ =	sdelay $0x1  }
0xa1: {  	s23 =	simm.s32 $0x1B8B  }
0xa2: {  	_ =	swait.ge [sflag:s23], $0x1  }
0xa3: {  	[sflag:s23] =	ssyncset.done $0x0  }
0xa4: {  	s25 =	simm.s32 $0x1B8E;
	s24 =	sld [smem:$0x3FFE];
	[sflag:s23] =	ssyncadd.s32 $0xFFFFFFFF  }
0xa5: {  	s26 =	simm.s32 $execute0_lowered;
	[smem:$0x3FD2] =	sst s25  }
0xa6: {  	s5 =	sshll.u32 s26, $0x1;
	_ =	strace $0x8000004C;
	[dreg:$0x1] =	wrdreg $0xFFFFFFFF  }
0xa7: {  	s28 =	simm.s32 $_size_execute0_lowered;
	s3 =	sadd.s32 s3, s5;
	[dreg:$0x0] =	wrdreg $0x0  }
0xa8: {  	s5 =	sshll.u32 s28, $0x1;
	[dreg:$0x2] =	wrdreg s3  }
0xa9: {  	[dreg:$0x3] =	wrdreg s5  }
0xaa: {  	[dreg:$0x4] =	wrdreg $0xC0  }
0xab: {  	_ =	task [dreg:s7], $0x5FFFF  }
0xac: {  	[dreg:$0x1] =	wrdreg $0xFFFFFFFF  }
0xad: {  	[dreg:$0x0] =	wrdreg $0x60  }
0xae: {  	[dreg:$0x2] =	wrdreg s24  }
0xaf: {  	[dreg:$0x3] =	wrdreg s2  }
0xb0: {  	[dreg:$0x4] =	wrdreg $0x29400  }
0xb1: {  	[dreg:$0x5] =	wrdreg $0x9  }
0xb2: {  	_ =	task.clear_ibuf [dreg:s7], $0x6FFFF;
	_ =	strace $0x9000004C  }
0xb3: {  	s29 =	simm.s32 $0x9;
	_ =	strace $0x8000004E  }
0xb4: {  	_ =	swait.ge [sflag:s29], $0x1  }
0xb5: {  	[sflag:s29] =	ssyncadd.s32 $0xFFFFFFFF  }
0xb6: {  	_ =	strace $0x9000004E  }
0xb7: {  	_ =	sfence  }
0xb8: {  	s30 =	sld [smem:$0x0];
	_ =	sdelay $0x2  }
0xb9: {  	s31 =	sshll.u32 s1, $0xD;
	s1 =	sshrl.u32 s1, $0x2  }
0xba: {  	s3 =	sand.u32 $0x4000, s31;
	s1 =	sadd.s32 s1, s30  }
0xbb: {  	s0 =	sor.u32 s3, s0;
	s1 =	sshll.u32 s1, $0x11  }
0xbc: {  	s0 =	sor.u32 s1, s0  }
0xbd: {  	s0 =	sadd.s32 $0x8F2B, s0  }
0xbe: {  	[sflag:s0] =	ssyncadd.remote.s32 $0x1  }
0xbf: {  	_ =	sfence.sel $0xFFFF  }
0xc0: {  	[dreg:$0x0] =	wrdreg $0xFFFFFFFF;
	(pc) =	sbr.abs _section_cstart, $3  }
0xc1: {  	[dreg:$0x1] =	wrdreg $0xFFFFFFFF  }
0xc2: {  	_ =	task.clear_ibuf [dreg:s7], $0x2FFFF;
	_ =	strace $0x9FFFFFFF  }
0xc3: {  	(tm) =	ssettm $0x7FFFFFFF  }
tec
execute0_lowered:
.L_overlay_start_1:
0x0: {  	(tag) =	ssettag $0x1  }
0x1: {  	s0 =	rddreg [dreg:$0x0]  }
0x2: {  	s7 =	rddreg [dreg:$0x1]  }
0x3: {  	s2 =	rddreg [dreg:$0x2]  }
0x4: {  	s3 =	simm.s32 $0x0;
	s4 =	srdreg.scid;
	s1 =	stileid.u32  }
0x5: {  	s17 =	simm.s32 $0x5;
	s18 =	simm.s32 $0xA0;
	s19 =	simm.s32 $0x3  }
0x6: {  	s20 =	simm.s32 $0x50;
	s21 =	simm.s32 $0x140;
	s22 =	simm.s32 $0xF0  }
0x7: {  	s23 =	simm.s32 $0x4;
	s24 =	simm.s32 $0x1540;
	s28 =	simm.s32 $0x0  }
0x8: {  	[smem:$0x7FF] =	sst s3;
	s8 =	sand.u32 $0x1, s4;
	s9 =	smul.u32 $0x9E00, s1  }
0x9: {  	s4 =	sadd.s32 $0x16200, s0;
	s5 =	sadd.s32 $0x2600, s0;
	s6 =	sadd.s32 $0xC400, s0  }
0xa: {  	s29 =	smul.u32 $0x2710, s1;
	s30 =	sshll.u32 s1, $0x6;
	_ =	strace $0x8000004D  }
0xb: {  	s10 =	smul.u32 $0x9E000, s8;
	s11 =	sshll.u32 s8, $0x4;
	s12 =	ssub.s32 $0x2, s8  }
0xc: {  	s13 =	smul.u32 $0x27100, s8;
	s8 =	sor.u32 $0x1C05, s30;
	s11 =	sor.u32 s1, s11  }
0xd: {  	s25 =	sshrl.u32 s12, $0x1;
	s26 =	sshrl.u32 s9, $0x3;
	s16 =	sadd.s32 s9, s2  }
0xe: {  	s10 =	sadd.s32 s9, s10;
	s11 =	smul.u32 $0x2710, s11;
	s12 =	ssub.s32 s12, s25  }
0xf: {  	s7 =	sadd.s32 s7, s26;
	s13 =	sadd.s32 s29, s13;
	s16 =	sshrl.u32 s16, $0x3  }
0x10: {  	s25 =	simm.s32 $0x1;
	s26 =	simm.s32 $0x2;
	s10 =	sshrl.u32 s10, $0x3  }
0x11: {  	[dreg:$0x4] =	wrdreg s7;
	s14 =	sadd.s32 $0x50, s13;
	s12 =	smax.u32 s12, $0x1  }
0x12: {  	s13 =	sadd.s32 $0xA0, s13;
	s0 =	sadd.s32 s10, s0;
	s11 =	sshrl.u32 s11, $0x3  }
0x13: {  	s31 =	sshrl.u32 s14, $0x3;
	s9 =	sadd.s32 s5, s11;
	s10 =	sadd.s32 s6, s11  }
0x14: {  	s11 =	sadd.s32 $0x64600, s0;
	s14 =	sadd.s32 s31, s6;
	s15 =	sadd.s32 s31, s5  }
.LBB2_1:
0x15: {  	s0 =	rddreg [dreg:$0x4]  }
0x16: {  	[spmem:s16], [sflag:s8] =	dma.local [hbm:s0], $0x13C0  }
0x17: {  	_ =	swait.ge [sflag:s17], $0x13C0  }
0x18: {  	[sflag:s17] =	ssyncset.done $0x0  }
0x19: {  	[sflag:s17] =	ssyncadd.s32 $0xFFFFEC40  }
0x1a: {  	[bflag:$0x0] =	sbarrier.arrive $0xFFFF  }
0x1b: {  	[tilespmem:s3], [sflag:$0x3] =	stream.linear.gather [hbm4b:s9+s3], $0x50, $0x38;
	[tilespmem:$0xC740] =	vst v63  }
0x1c: {  	_ = 	snop  }
0x1d: {  	[tilespmem:s18], [sflag:$0x3] =	stream.linear.gather [hbm4b:s10+s3], $0x50, $0x38;
	[tilespmem:$0xC740] =	vst v63  }
0x1e: {  	_ =	swait.ge [sflag:s19], $0x50  }
0x1f: {  	[sflag:s19] =	ssyncset.done $0x0  }
0x20: {  	[sflag:s19] =	ssyncadd.s32 $0xFFFFFFB0  }
0x21: {  	_ =	swait.ge [sflag:s19], $0x50  }
0x22: {  	[sflag:s19] =	ssyncset.done $0x0  }
0x23: {  	[sflag:s19] =	ssyncadd.s32 $0xFFFFFFB0  }
0x24: {  	[tilespmem:s21], [sflag:$0x1] =	stream.indirect.gather [hbm4b:s4+s20], $0x40, s3, s20, $0xb8;
	[tilespmem:$0xC740] =	vst v63  }
0x25: {  	s7 =	sadd.s32 $0x0, s15  }
0x26: {  	[tilespmem:s20], [sflag:$0x4] =	stream.linear.gather [hbm4b:s7+s3], $0x50, $0x38;
	[tilespmem:$0xC740] =	vst v63  }
0x27: {  	s1 =	sadd.s32 $0x0, s14  }
0x28: {  	[tilespmem:s22], [sflag:$0x4] =	stream.linear.gather [hbm4b:s1+s3], $0x50, $0x38;
	[tilespmem:$0xC740] =	vst v63  }
0x29: {  	_ =	swait.ge [sflag:s23], $0x50  }
0x2a: {  	[sflag:s23] =	ssyncset.done $0x0  }
0x2b: {  	[sflag:s23] =	ssyncadd.s32 $0xFFFFFFB0  }
0x2c: {  	_ =	swait.ge [sflag:s23], $0x50  }
0x2d: {  	[sflag:s23] =	ssyncset.done $0x0  }
0x2e: {  	[sflag:s23] =	ssyncadd.s32 $0xFFFFFFB0  }
0x2f: {  	[tilespmem:s24], [sflag:$0x2] =	stream.indirect.gather [hbm4b:s4+s20], $0x40, s20, s20, $0xb8;
	[tilespmem:$0xC740] =	vst v63  }
0x30: {  	_ =	swait.ge [sflag:s25], $0x1400  }
0x31: {  	[sflag:s25] =	ssyncset.done $0x0  }
0x32: {  	[sflag:s25] =	ssyncadd.s32 $0xFFFFEC00  }
0x33: {  	[spmem:s2] =	stream.indirect.scatter.add.f32 [tilespmem:s21], [sflag:$0x5], $0x40, s18, s20, $0xb8;
	[tilespmem:$0xC740] =	vst v63  }
0x34: {  	_ =	swait.ge [sflag:s17], $0x1400  }
0x35: {  	s7 =	sshrl.u32 s13, $0x3;
	[sflag:s17] =	ssyncset.done $0x0  }
0x36: {  	s29 =	sadd.s32 s5, s7;
	[sflag:s17] =	ssyncadd.s32 $0xFFFFEC00  }
0x37: {  	[tilespmem:s3], [sflag:$0x3] =	stream.linear.gather [hbm4b:s29+s3], $0x50, $0x38;
	[tilespmem:$0xC740] =	vst v63  }
0x38: {  	s0 =	sadd.s32 s6, s7  }
0x39: {  	[tilespmem:s18], [sflag:$0x3] =	stream.linear.gather [hbm4b:s0+s3], $0x50, $0x38;
	[tilespmem:$0xC740] =	vst v63  }
0x3a: {  	_ =	swait.ge [sflag:s19], $0x50  }
0x3b: {  	[sflag:s19] =	ssyncset.done $0x0  }
0x3c: {  	[sflag:s19] =	ssyncadd.s32 $0xFFFFFFB0  }
0x3d: {  	_ =	swait.ge [sflag:s19], $0x50  }
0x3e: {  	[sflag:s19] =	ssyncset.done $0x0  }
0x3f: {  	[sflag:s19] =	ssyncadd.s32 $0xFFFFFFB0  }
0x40: {  	[tilespmem:s21], [sflag:$0x1] =	stream.indirect.gather [hbm4b:s4+s20], $0x40, s3, s20, $0xb8;
	[tilespmem:$0xC740] =	vst v63  }
0x41: {  	_ =	swait.ge [sflag:s26], $0x1400  }
0x42: {  	[sflag:s26] =	ssyncset.done $0x0  }
0x43: {  	[sflag:s26] =	ssyncadd.s32 $0xFFFFEC00  }
0x44: {  	[spmem:s2] =	stream.indirect.scatter.add.f32 [tilespmem:s24], [sflag:$0x5], $0x40, s22, s20, $0xb8;
	[tilespmem:$0xC740] =	vst v63  }
0x45: {  	s30 =	simm.s32 $0x14;
	_ =	swait.ge [sflag:s17], $0x1400  }
0x46: {  	s31 =	simm.s32 $0x28;
	s29 =	sadd.s32 $0xA0, s13;
	[sflag:s17] =	ssyncset.done $0x0  }
.LBB2_2:
0x47: {  	s1 =	sadd.s32 s30, s15  }
0x48: {  	[sflag:s17] =	ssyncadd.s32 $0xFFFFEC00;
	s7 =	smov.u32 s31;
	s0 =	sadd.s32 $0x14, s31  }
0x49: {  	[tilespmem:s20], [sflag:$0x4] =	stream.linear.gather [hbm4b:s1+s3], $0x50, $0x38;
	[tilespmem:$0xC740] =	vst v63  }
0x4a: {  	p0 =	sne.s32 s31, $0x4C4;
	s1 =	sadd.s32 s30, s14;
	s30 =	smov.u32 s7  }
0x4b: {  	[tilespmem:s22], [sflag:$0x4] =	stream.linear.gather [hbm4b:s1+s3], $0x50, $0x38;
	[tilespmem:$0xC740] =	vst v63  }
0x4c: {  	_ =	swait.ge [sflag:s23], $0x50  }
0x4d: {  	[sflag:s23] =	ssyncset.done $0x0  }
0x4e: {  	[sflag:s23] =	ssyncadd.s32 $0xFFFFFFB0  }
0x4f: {  	_ =	swait.ge [sflag:s23], $0x50  }
0x50: {  	[sflag:s23] =	ssyncset.done $0x0  }
0x51: {  	[sflag:s23] =	ssyncadd.s32 $0xFFFFFFB0  }
0x52: {  	[tilespmem:s24], [sflag:$0x2] =	stream.indirect.gather [hbm4b:s4+s20], $0x40, s20, s20, $0xb8;
	[tilespmem:$0xC740] =	vst v63  }
0x53: {  	_ =	swait.ge [sflag:s25], $0x1400  }
0x54: {  	[sflag:s25] =	ssyncset.done $0x0  }
0x55: {  	[sflag:s25] =	ssyncadd.s32 $0xFFFFEC00  }
0x56: {  	[spmem:s2] =	stream.indirect.scatter.add.f32 [tilespmem:s21], [sflag:$0x5], $0x40, s18, s20, $0xb8;
	[tilespmem:$0xC740] =	vst v63  }
0x57: {  	_ =	swait.ge [sflag:s17], $0x1400  }
0x58: {  	s1 =	sshrl.u32 s29, $0x3;
	[sflag:s17] =	ssyncset.done $0x0  }
0x59: {  	s7 =	sadd.s32 s5, s1;
	[sflag:s17] =	ssyncadd.s32 $0xFFFFEC00  }
0x5a: {  	[tilespmem:s3], [sflag:$0x3] =	stream.linear.gather [hbm4b:s7+s3], $0x50, $0x38;
	[tilespmem:$0xC740] =	vst v63  }
0x5b: {  	s1 =	sadd.s32 s6, s1  }
0x5c: {  	[tilespmem:s18], [sflag:$0x3] =	stream.linear.gather [hbm4b:s1+s3], $0x50, $0x38;
	[tilespmem:$0xC740] =	vst v63  }
0x5d: {  	_ =	swait.ge [sflag:s19], $0x50  }
0x5e: {  	[sflag:s19] =	ssyncset.done $0x0  }
0x5f: {  	[sflag:s19] =	ssyncadd.s32 $0xFFFFFFB0  }
0x60: {  	_ =	swait.ge [sflag:s19], $0x50  }
0x61: {  	[sflag:s19] =	ssyncset.done $0x0  }
0x62: {  	[sflag:s19] =	ssyncadd.s32 $0xFFFFFFB0  }
0x63: {  	[tilespmem:s21], [sflag:$0x1] =	stream.indirect.gather [hbm4b:s4+s20], $0x40, s3, s20, $0xb8;
	[tilespmem:$0xC740] =	vst v63  }
0x64: {  	_ =	swait.ge [sflag:s26], $0x1400  }
.Ltmp0:
0x65: {  	[sflag:s26] =	ssyncset.done $0x0;
	(pc) =	sbr.rel @p0 .LBB2_2-.Ltmp0, $4  }
0x66: {  	[sflag:s26] =	ssyncadd.s32 $0xFFFFEC00  }
0x67: {  	[spmem:s2] =	stream.indirect.scatter.add.f32 [tilespmem:s24], [sflag:$0x5], $0x40, s22, s20, $0xb8;
	[tilespmem:$0xC740] =	vst v63  }
0x68: {  	_ =	swait.ge [sflag:s17], $0x1400  }
0x69: {  	s31 =	smov.u32 s0;
	s29 =	sadd.s32 $0xA0, s29;
	[sflag:s17] =	ssyncset.done $0x0  }
0x6a: {  	s0 =	sadd.s32 s30, s15;
	[sflag:s17] =	ssyncadd.s32 $0xFFFFEC00  }
0x6b: {  	[tilespmem:s20], [sflag:$0x4] =	stream.linear.gather [hbm4b:s0+s3], $0x50, $0x38;
	[tilespmem:$0xC740] =	vst v63  }
0x6c: {  	s30 =	sadd.s32 s30, s14  }
0x6d: {  	[tilespmem:s22], [sflag:$0x4] =	stream.linear.gather [hbm4b:s30+s3], $0x50, $0x38;
	[tilespmem:$0xC740] =	vst v63  }
0x6e: {  	_ =	swait.ge [sflag:s23], $0x50  }
0x6f: {  	[sflag:s23] =	ssyncset.done $0x0  }
0x70: {  	[sflag:s23] =	ssyncadd.s32 $0xFFFFFFB0  }
0x71: {  	_ =	swait.ge [sflag:s23], $0x50  }
0x72: {  	[sflag:s23] =	ssyncset.done $0x0  }
0x73: {  	[sflag:s23] =	ssyncadd.s32 $0xFFFFFFB0  }
0x74: {  	[tilespmem:s24], [sflag:$0x2] =	stream.indirect.gather [hbm4b:s4+s20], $0x40, s20, s20, $0xb8;
	[tilespmem:$0xC740] =	vst v63  }
0x75: {  	_ =	swait.ge [sflag:s25], $0x1400  }
0x76: {  	[sflag:s25] =	ssyncset.done $0x0  }
0x77: {  	[sflag:s25] =	ssyncadd.s32 $0xFFFFEC00  }
0x78: {  	[spmem:s2] =	stream.indirect.scatter.add.f32 [tilespmem:s21], [sflag:$0x5], $0x40, s18, s20, $0xb8;
	[tilespmem:$0xC740] =	vst v63  }
0x79: {  	_ =	swait.ge [sflag:s17], $0x1400  }
0x7a: {  	s31 =	sshrl.u32 s29, $0x3;
	[sflag:s17] =	ssyncset.done $0x0  }
0x7b: {  	s1 =	sadd.s32 s5, s31;
	[sflag:s17] =	ssyncadd.s32 $0xFFFFEC00  }
0x7c: {  	[tilespmem:s3], [sflag:$0x3] =	stream.linear.gather [hbm4b:s1+s3], $0x50, $0x38;
	[tilespmem:$0xC740] =	vst v63  }
0x7d: {  	s0 =	sadd.s32 s6, s31  }
0x7e: {  	[tilespmem:s18], [sflag:$0x3] =	stream.linear.gather [hbm4b:s0+s3], $0x50, $0x38;
	[tilespmem:$0xC740] =	vst v63  }
0x7f: {  	_ =	swait.ge [sflag:s19], $0x50  }
0x80: {  	[sflag:s19] =	ssyncset.done $0x0  }
0x81: {  	[sflag:s19] =	ssyncadd.s32 $0xFFFFFFB0  }
0x82: {  	_ =	swait.ge [sflag:s19], $0x50  }
0x83: {  	[sflag:s19] =	ssyncset.done $0x0  }
0x84: {  	[sflag:s19] =	ssyncadd.s32 $0xFFFFFFB0  }
0x85: {  	[tilespmem:s21], [sflag:$0x1] =	stream.indirect.gather [hbm4b:s4+s20], $0x40, s3, s20, $0xb8;
	[tilespmem:$0xC740] =	vst v63  }
0x86: {  	_ =	swait.ge [sflag:s26], $0x1400  }
0x87: {  	[sflag:s26] =	ssyncset.done $0x0  }
0x88: {  	[sflag:s26] =	ssyncadd.s32 $0xFFFFEC00  }
0x89: {  	[spmem:s2] =	stream.indirect.scatter.add.f32 [tilespmem:s24], [sflag:$0x5], $0x40, s22, s20, $0xb8;
	[tilespmem:$0xC740] =	vst v63  }
0x8a: {  	_ =	swait.ge [sflag:s17], $0x1400  }
0x8b: {  	[sflag:s17] =	ssyncset.done $0x0  }
0x8c: {  	[sflag:s17] =	ssyncadd.s32 $0xFFFFEC00  }
0x8d: {  	_ =	swait.ge [sflag:s25], $0x1400  }
0x8e: {  	[sflag:s25] =	ssyncset.done $0x0  }
0x8f: {  	[sflag:s25] =	ssyncadd.s32 $0xFFFFEC00  }
0x90: {  	[spmem:s2] =	stream.indirect.scatter.add.f32 [tilespmem:s21], [sflag:$0x5], $0x40, s18, s20, $0xb8;
	[tilespmem:$0xC740] =	vst v63  }
0x91: {  	_ =	swait.ge [sflag:s17], $0x1400  }
0x92: {  	s28 =	sadd.s32 $0x1, s28;
	[sflag:s17] =	ssyncset.done $0x0  }
0x93: {  	p0 =	sne.s32 s28, s12;
	[sflag:s17] =	ssyncadd.s32 $0xFFFFEC00  }
.Ltmp1:
0x94: {  	[bflag:$0x0] =	sbarrier.arrive $0xFFFF;
	(pc) =	sbr.rel @p0 .LBB2_1-.Ltmp1, $4  }
0x95: {  	[hbm:s11], [sflag:s8] =	dma.local [spmem:s16], $0x13C0  }
0x96: {  	_ =	swait.ge [sflag:s17], $0x13C0  }
0x97: {  	[sflag:s17] =	ssyncset.done $0x0  }
0x98: {  	[sflag:s17] =	ssyncadd.s32 $0xFFFFEC40  }
0x99: {  	_ =	sfence.sel $0x180000  }
0x9a: {  	[bflag:$0x0] =	sbarrier.arrive $0xFFFF  }
0x9b: {  	_ =	strace $0x9000004D  }
0x9c: {  	s0 =	stileid.u32;
	[bflag:$0x2] =	sbarrier.arrive $0xFFFF  }
0x9d: {  	p0 =	sne.s32 s0, $0x0;
	s0 =	rddreg [dreg:$0x3]  }
0x9e: {  	s0 =	sadd.s32 @!p0 $0x100000, s0  }
0x9f: {  	[sflag:s0] =	ssyncadd.tile.s32 @!p0 $0x1;
	_ =	shalt  }
.Lfunc_end2:
_tile_overlayer_lowered:
.L_overlay_start_2:
0xa0: {  	(tag) =	ssettag $0x2  }
0xa1: {  	s0 =	rddreg [dreg:$0x0];
	s2 =	stileid.u32  }
0xa2: {  	s1 =	rddreg [dreg:$0x1];
	p0 =	sne.s32 s2, $0x0  }
0xa3: {  	s3 =	rddreg [dreg:$0x2];
	[bflag:$0x3] =	sbarrier.arrive $0xFFFF;
	s2 =	simm.s32 @!p0 $0x1C05  }
0xa4: {  	[timem:s3], [sflag:s2] =	dma.local @!p0 [hbm:s0], s1  }
0xa5: {  	s0 =	simm.s32 @!p0 $0x5  }
0xa6: {  	_ =	swait.ge @!p0 [sflag:s0], s1  }
0xa7: {  	s1 =	ssub.s32 @!p0 $0x0, s1;
	[sflag:s0] =	ssyncset.done @!p0 $0x0  }
0xa8: {  	[sflag:s0] =	ssyncadd.s32 @!p0 s1  }
0xa9: {  	[bflag:$0x3] =	sbarrier.arrive $0xFFFF  }
0xaa: {  	_ =	shalt  }

// kernel: kernel.9.cloned.1.call-start
scs
__scs_entry_jumppad:
0x0: {  	(pc) =	sbr.rel $0x88, $3  }
0x1: {  	(tag) =	ssettag $0x0;
	lr =	simm.s32 $0x1  }
0x2: {  	[smem:$0x3F9B] =	sst lr;
	_ =	strace $0xD0000000  }
0x3: {  	_ = 	snop  }
0x4: {  	_ = 	snop  }
0x5: {  	_ = 	snop  }
0x6: {  	_ = 	snop  }
0x7: {  	_ = 	snop  }
__scs_overlays_trampoline_lowered:
0x8: {  	[smem:$0x3FAA] =	sst s0  }
0x9: {  	[smem:$0x3FAB] =	sst s1  }
0xa: {  	[smem:$0x3FAC] =	sst s2  }
0xb: {  	[smem:$0x3FAD] =	sst s3  }
0xc: {  	[smem:$0x3FAE] =	sst s4  }
0xd: {  	[smem:$0x3FAF] =	sst s5  }
0xe: {  	[smem:$0x3FB0] =	sst s6  }
0xf: {  	[smem:$0x3FB1] =	sst s7  }
0x10: {  	[smem:$0x3FB2] =	sst s8  }
0x11: {  	[smem:$0x3FB3] =	sst s9;
	s0 =	simm.s32 @!p0 $0x0  }
0x12: {  	s1 =	sld [smem:$0x3F99];
	s0 =	simm.s32 @p0 $0x1  }
0x13: {  	[smem:$0x3FB4] =	sst s0;
	s0 =	simm.s32 @!p1 $0x0  }
0x14: {  	s2 =	sld [smem:$0x3F98];
	s0 =	simm.s32 @p1 $0x1  }
0x15: {  	[smem:$0x3FB5] =	sst s0;
	s0 =	simm.s32 @!p2 $0x0  }
0x16: {  	s3 =	sld [smem:$0x3FDB];
	s0 =	simm.s32 @p2 $0x1  }
0x17: {  	s4 =	simm.s32 $0x1BF5;
	[smem:$0x3FB7] =	sst s0  }
0x18: {  	s0 =	sld [smem:$0x3F9A];
	_ =	swait.ge [sflag:s4], $0x0  }
0x19: {  	s7 =	sld [smem:$0x3F9B]  }
0x1a: {  	s8 =	sadd.s32 $0xFFFFE003, lr  }
0x1b: {  	s9 =	sadd.s32 $0xFFFFFEF7, lr;
	s5 =	simm.s32 $0xFFFFFFFF;
	p2 =	slt.u32 s8, $0xFFFFF086  }
0x1c: {  	p1 =	slt.u32 s9, $0xF7A;
	s5 =	simm.s32 @!p2 $0x0  }
0x1d: {  	s5 =	simm.s32 @p1 $0x1;
	p0 =	seq.s32 s7, s2  }
0x1e: {  	s7 =	smul.u32 @!p0 $0xF7A, s2;
	p2 =	seq.s32 @!p0 s5, $0x0  }
0x1f: {  	s9 =	smul.u32 $0xF7A, s1;
	s8 =	simm.s32 @!p0 $0x1BF5;
	p2 =	por !p2, p0  }
0x20: {  	[sflag:s8] =	ssyncset.s32 @!p0 $0xFFFFF086;
	s6 =	sadd.s32 @!p0 s3, s7;
	s7 =	simm.s32 @!p0 $0x108  }
0x21: {  	s3 =	sadd.s32 s3, s9;
	s6 =	sadd.s32 @!p0 $0x88, s6;
	s7 =	simm.s32 @p2 $0x1082  }
0x22: {  	[simem:s7], [sflag:s8] =	dma.local @!p0 [hbm:s6], $0xF7A  }
0x23: {  	s9 =	sor.u32 $0xD0000000, s2;
	s6 =	simm.s32 $0x108;
	_ =	swait.ge @!p0 [sflag:s8], $0x0  }
0x24: {  	s3 =	sadd.s32 $0x88, s3;
	s6 =	simm.s32 @!p1 $0x1082;
	[sflag:s4] =	ssyncset.s32 $0xFFFFF086  }
0x25: {  	[simem:s6], [sflag:s4] =	dma.local [hbm:s3], $0xF7A  }
0x26: {  	[smem:$0x3F9B] =	sst s1;
	(tag) =	ssettag s2;
	_ =	strace s9  }
0x27: {  	s1 =	sld [smem:$0x3FAB]  }
0x28: {  	s2 =	sld [smem:$0x3FAC]  }
0x29: {  	s4 =	sld [smem:$0x3FAE]  }
0x2a: {  	p0 =	seq.s32 s5, $0x0;
	s5 =	sld [smem:$0x3FAF]  }
0x2b: {  	s6 =	sld [smem:$0x3FB0]  }
0x2c: {  	s7 =	sld [smem:$0x3FB1]  }
0x2d: {  	s3 =	simm.s32 $0x108;
	s8 =	sld [smem:$0x3FB2]  }
0x2e: {  	s3 =	simm.s32 @!p0 $0x1082;
	s9 =	sld [smem:$0x3FB3]  }
0x2f: {  	lr =	sadd.s32 s0, s3;
	s0 =	sld [smem:$0x3FAA]  }
0x30: {  	s3 =	sld [smem:$0x3FAD]  }
0x31: {  	[smem:$0x3FB6] =	sst s10  }
0x32: {  	s10 =	sld [smem:$0x3FB4];
	_ =	sdelay $0x3  }
0x33: {  	p0 =	seq.s32 s10, $0x1;
	s10 =	sld [smem:$0x3FB6];
	_ =	sdelay $0x3  }
0x34: {  	[smem:$0x3FB6] =	sst s10  }
0x35: {  	s10 =	sld [smem:$0x3FB5];
	_ =	sdelay $0x3  }
0x36: {  	p1 =	seq.s32 s10, $0x1;
	s10 =	sld [smem:$0x3FB6];
	_ =	sdelay $0x3  }
0x37: {  	[smem:$0x3FB6] =	sst s10  }
0x38: {  	s10 =	sld [smem:$0x3FB7]  }
0x39: {  	_ = 	snop;
	(pc) =	sbr.ind lr, $3  }
0x3a: {  	_ = 	snop  }
0x3b: {  	_ = 	snop  }
0x3c: {  	p2 =	seq.s32 s10, $0x1;
	s10 =	sld [smem:$0x3FB6]  }
0x3d: {  	_ =	shalt  }
0x3e: {  	_ =	shalt  }
0x3f: {  	_ =	shalt  }
0x40: {  	_ =	shalt  }
0x41: {  	_ =	shalt  }
0x42: {  	_ =	shalt  }
0x43: {  	_ =	shalt  }
0x44: {  	_ =	shalt  }
0x45: {  	_ =	shalt  }
0x46: {  	_ =	shalt  }
0x47: {  	_ =	shalt  }
0x48: {  	_ =	shalt  }
0x49: {  	_ =	shalt  }
0x4a: {  	_ =	shalt  }
0x4b: {  	_ =	shalt  }
0x4c: {  	_ =	shalt  }
0x4d: {  	_ =	shalt  }
0x4e: {  	_ =	shalt  }
0x4f: {  	_ =	shalt  }
0x50: {  	_ =	shalt  }
0x51: {  	_ =	shalt  }
0x52: {  	_ =	shalt  }
0x53: {  	_ =	shalt  }
0x54: {  	_ =	shalt  }
0x55: {  	_ =	shalt  }
0x56: {  	_ =	shalt  }
0x57: {  	_ =	shalt  }
0x58: {  	_ =	shalt  }
0x59: {  	_ =	shalt  }
0x5a: {  	_ =	shalt  }
0x5b: {  	_ =	shalt  }
0x5c: {  	_ =	shalt  }
0x5d: {  	_ =	shalt  }
0x5e: {  	_ =	shalt  }
0x5f: {  	_ =	shalt  }
0x60: {  	_ =	shalt  }
0x61: {  	_ =	shalt  }
0x62: {  	_ =	shalt  }
0x63: {  	_ =	shalt  }
0x64: {  	_ =	shalt  }
0x65: {  	_ =	shalt  }
0x66: {  	_ =	shalt  }
0x67: {  	_ =	shalt  }
0x68: {  	_ =	shalt  }
0x69: {  	_ =	shalt  }
0x6a: {  	_ =	shalt  }
0x6b: {  	_ =	shalt  }
0x6c: {  	_ =	shalt  }
0x6d: {  	_ =	shalt  }
0x6e: {  	_ =	shalt  }
0x6f: {  	_ =	shalt  }
0x70: {  	_ =	shalt  }
0x71: {  	_ =	shalt  }
0x72: {  	_ =	shalt  }
0x73: {  	_ =	shalt  }
0x74: {  	_ =	shalt  }
0x75: {  	_ =	shalt  }
0x76: {  	_ =	shalt  }
0x77: {  	_ =	shalt  }
0x78: {  	_ =	shalt  }
0x79: {  	_ =	shalt  }
0x7a: {  	_ =	shalt  }
0x7b: {  	_ =	shalt  }
0x7c: {  	_ =	shalt  }
0x7d: {  	_ =	shalt  }
0x7e: {  	_ =	shalt  }
0x7f: {  	_ =	shalt  }
0x80: {  	_ =	shalt  }
0x81: {  	_ =	shalt  }
0x82: {  	_ =	shalt  }
0x83: {  	_ =	shalt  }
0x84: {  	_ =	shalt  }
0x85: {  	_ =	shalt  }
0x86: {  	_ =	shalt  }
0x87: {  	_ =	shalt  }
.Lfunc_end0:
.L_simem_size_0:
called_computation_lowered:
.L_overlay_start_0:
0x88: {  	s2 =	sld [smem:$0x3FD9]  }
0x89: {  	s3 =	sld [smem:$0x3FFE];
	_ =	sdelay $0x1  }
0x8a: {  	s1 =	srdreg.scid  }
0x8b: {  	s0 =	sand.u32 $0x1, s1  }
0x8c: {  	s17 =	sshll.u32 s0, $0xA;
	s2 =	sadd.s32 s3, s2  }
0x8d: {  	s2 =	sadd.s32 s2, s17  }
0x8e: {  	[smem:$0x3FC2] =	sst s2  }
0x8f: {  	_ = 	snop  }
0x90: {  	s2 =	sld [smem:$0x3FD0];
	(tm) =	ssettm $0x1  }
0x91: {  	s18 =	sld [smem:$0x3FFB];
	_ =	sdelay $0x3  }
0x92: {  	_ =	strace s18  }
0x93: {  	s3 =	sld [smem:$0x3FFC];
	_ =	sdelay $0x3  }
0x94: {  	_ =	strace s3  }
0x95: {  	s3 =	sld [smem:$0x3FFD];
	_ =	sdelay $0x3  }
0x96: {  	_ =	strace s3  }
0x97: {  	_ =	strace $0x8FFFFFFF  }
0x98: {  	s19 =	sld [smem:$0x3FDB];
	_ =	sdelay $0x1  }
0x99: {  	s4 =	simm.s32 $_scs_section_size  }
0x9a: {  	s5 =	simm.s32 $_size__tile_overlayer_lowered;
	s6 =	simm.s32 $_tile_overlayer_lowered  }
0x9b: {  	s22 =	simm.s32 $0x1BFF;
	s21 =	sshll.u32 s6, $0x1;
	s3 =	sadd.s32 s4, s19  }
0x9c: {  	s7 =	simm.s32 $0x0;
	s20 =	sshll.u32 s5, $0x1;
	s5 =	sadd.s32 s21, s3  }
0x9d: {  	[timem:s7], [sflag:s22] =	dma.local [hbm:s5], s20  }
0x9e: {  	_ =	swait.ge [sflag:s22], s20  }
0x9f: {  	s4 =	ssub.s32 $0x0, s20;
	[sflag:s22] =	ssyncset.done $0x0  }
0xa0: {  	[sflag:s22] =	ssyncadd.s32 s4;
	_ =	sdelay $0x1  }
0xa1: {  	s23 =	simm.s32 $0x1B8B  }
0xa2: {  	_ =	swait.ge [sflag:s23], $0x1  }
0xa3: {  	[sflag:s23] =	ssyncset.done $0x0  }
0xa4: {  	s25 =	simm.s32 $0x1B8E;
	s24 =	sld [smem:$0x3FFE];
	[sflag:s23] =	ssyncadd.s32 $0xFFFFFFFF  }
0xa5: {  	s26 =	simm.s32 $execute0_lowered;
	[smem:$0x3FD2] =	sst s25  }
0xa6: {  	s5 =	sshll.u32 s26, $0x1;
	_ =	strace $0x80000046;
	[dreg:$0x1] =	wrdreg $0xFFFFFFFF  }
0xa7: {  	s28 =	simm.s32 $_size_execute0_lowered;
	s3 =	sadd.s32 s3, s5;
	[dreg:$0x0] =	wrdreg $0x0  }
0xa8: {  	s5 =	sshll.u32 s28, $0x1;
	[dreg:$0x2] =	wrdreg s3  }
0xa9: {  	[dreg:$0x3] =	wrdreg s5  }
0xaa: {  	[dreg:$0x4] =	wrdreg $0xC0  }
0xab: {  	_ =	task [dreg:s7], $0x5FFFF  }
0xac: {  	[dreg:$0x1] =	wrdreg $0xFFFFFFFF  }
0xad: {  	[dreg:$0x0] =	wrdreg $0x60  }
0xae: {  	[dreg:$0x2] =	wrdreg s24  }
0xaf: {  	[dreg:$0x3] =	wrdreg s2  }
0xb0: {  	[dreg:$0x4] =	wrdreg $0x9  }
0xb1: {  	_ =	task.clear_ibuf [dreg:s7], $0x5FFFF;
	_ =	strace $0x90000046  }
0xb2: {  	s29 =	simm.s32 $0x9;
	_ =	strace $0x80000048  }
0xb3: {  	_ =	swait.ge [sflag:s29], $0x1  }
0xb4: {  	[sflag:s29] =	ssyncadd.s32 $0xFFFFFFFF  }
0xb5: {  	_ =	strace $0x90000048  }
0xb6: {  	_ =	sfence  }
0xb7: {  	s30 =	sld [smem:$0x0];
	_ =	sdelay $0x2  }
0xb8: {  	s31 =	sshll.u32 s1, $0xD;
	s1 =	sshrl.u32 s1, $0x2  }
0xb9: {  	s3 =	sand.u32 $0x4000, s31;
	s1 =	sadd.s32 s1, s30  }
0xba: {  	s0 =	sor.u32 s3, s0;
	s1 =	sshll.u32 s1, $0x11  }
0xbb: {  	s0 =	sor.u32 s1, s0  }
0xbc: {  	s0 =	sadd.s32 $0x8F2B, s0  }
0xbd: {  	[sflag:s0] =	ssyncadd.remote.s32 $0x1  }
0xbe: {  	_ =	sfence.sel $0xFFFF  }
0xbf: {  	[dreg:$0x0] =	wrdreg $0xFFFFFFFF;
	(pc) =	sbr.abs _section_cstart, $3  }
0xc0: {  	[dreg:$0x1] =	wrdreg $0xFFFFFFFF  }
0xc1: {  	_ =	task.clear_ibuf [dreg:s7], $0x2FFFF;
	_ =	strace $0x9FFFFFFF  }
0xc2: {  	(tm) =	ssettm $0x7FFFFFFF  }
0xc3: {  	_ =	shalt  }
tec
execute0_lowered:
.L_overlay_start_1:
0x0: {  	(tag) =	ssettag $0x1  }
0x1: {  	s0 =	srdreg.scid  }
0x2: {  	s3 =	sand.u32 $0x1, s0  }
0x3: {  	s4 =	rddreg [dreg:$0x0];
	s0 =	stileid.u32;
	s1 =	sshll.u32 s3, $0x4  }
0x4: {  	s5 =	rddreg [dreg:$0x1];
	s2 =	simm.s32 $0x0;
	s1 =	sor.u32 s0, s1  }
0x5: {  	s8 =	simm.s32 $0x2;
	s3 =	ssub.s32 $0x2, s3;
	s6 =	smul.u32 $0x4E2, s1  }
0x6: {  	s9 =	simm.s32 $0x0;
	[smem:$0x7FF] =	sst s2;
	s7 =	sshrl.u32 s3, $0x1  }
0x7: {  	s1 =	rddreg [dreg:$0x2];
	_ =	strace $0x80000047;
	s4 =	sadd.s32 s6, s4  }
0x8: {  	s7 =	ssub.s32 s3, s7;
	s3 =	sadd.s32 $0xC400, s4;
	s4 =	sadd.s32 s5, s6  }
0x9: {  	v0 =	vimm.f32 $0.0e+00;
	v1 =	vimm.f32 $1.000000000e+00;
	s5 =	smax.u32 s7, $0x1;
	s6 =	simm.s32 $0x1;
	s7 =	simm.s32 $0x2780  }
.LBB2_1:
0xa: {  	[tilespmem:s2], [sflag:$0x1] =	stream.linear.gather [hbm4b:s3+s2], $0x2710, $0x38;
	[tilespmem:$0x4F00] =	vst v63  }
0xb: {  	s10 =	simm.s32 $0x40;
	s11 =	simm.s32 $0x0  }
.LBB2_2:
0xc: {  	p0 =	sne.s32 s10, $0x9C00;
	[tilespmem:s11+$0x2780] =	vst v0;
	s11 =	smov.u32 s10;
	s10 =	sadd.s32 $0x40, s10  }
.Ltmp0:
0xd: {  	(pc) =	sbr.rel @p0 .LBB2_2-.Ltmp0, $2  }
0xe: {  	_ =	sdelay $0x2  }
0xf: {  	s11 =	sshra.s32 s11, $0x2  }
0x10: {  	[tilespmem:s11+$0x2780] =	vst v0  }
0x11: {  	_ =	swait.ge [sflag:s6], $0x2710  }
0x12: {  	[sflag:s6] =	ssyncset.done $0x0  }
0x13: {  	s10 =	simm.s32 $0x0;
	[sflag:s6] =	ssyncadd.s32 $0xFFFFD8F0  }
.LBB2_4:
0x14: {  	s11 =	sshra.s32 s10, $0x2  }
0x15: {  	v2 =	vld [tilespmem:s11+$0x0];
	_ =	sdelay $0x7  }
0x16: {  	[tilespmem:v2+s7+$0x0] =	vst.idx.add.f32.msk $0xffff, v1  }
0x17: {  	v2 =	vld [tilespmem:s11+$0x10];
	_ =	sdelay $0x7  }
0x18: {  	[tilespmem:v2+s7+$0x0] =	vst.idx.add.f32.msk $0xffff, v1  }
0x19: {  	v2 =	vld [tilespmem:s11+$0x20];
	_ =	sdelay $0x7  }
0x1a: {  	[tilespmem:v2+s7+$0x0] =	vst.idx.add.f32.msk $0xffff, v1  }
0x1b: {  	v2 =	vld [tilespmem:s11+$0x30];
	_ =	sdelay $0x2  }
0x1c: {  	p0 =	sne.s32 s10, $0x9B00  }
.Ltmp1:
0x1d: {  	_ = 	snop;
	(pc) =	sbr.rel @p0 .LBB2_4-.Ltmp1, $2  }
0x1e: {  	_ =	sdelay $0x2  }
0x1f: {  	s10 =	sadd.s32 $0x100, s10;
	[tilespmem:v2+s7+$0x0] =	vst.idx.add.f32.msk $0xffff, v1  }
0x20: {  	s9 =	sadd.s32 $0x1, s9  }
0x21: {  	p0 =	sne.s32 s9, s5  }
.Ltmp2:
0x22: {  	_ = 	snop;
	(pc) =	sbr.rel @p0 .LBB2_1-.Ltmp2, $4  }
0x23: {  	[hbm4b:s4+s2] =	stream.linear.scatter [tilespmem:s7], [sflag:$0x2], $0x2710, $0x38;
	[tilespmem:$0x4F00] =	vst v63  }
0x24: {  	_ =	swait.ge [sflag:s8], $0x2710  }
0x25: {  	[sflag:s8] =	ssyncset.done $0x0  }
0x26: {  	[sflag:s8] =	ssyncadd.s32 $0xFFFFD8F0  }
0x27: {  	_ =	sfence.sel $0x180000  }
0x28: {  	[bflag:$0x0] =	sbarrier.arrive $0xFFFF  }
0x29: {  	p0 =	sne.s32 s0, $0x0;
	_ =	strace $0x90000047  }
0x2a: {  	s0 =	sadd.s32 @!p0 $0x100000, s1;
	[bflag:$0x2] =	sbarrier.arrive $0xFFFF  }
0x2b: {  	[sflag:s0] =	ssyncadd.tile.s32 @!p0 $0x1;
	_ =	shalt  }
.Lfunc_end2:
_tile_overlayer_lowered:
.L_overlay_start_2:
0x2c: {  	(tag) =	ssettag $0x2  }
0x2d: {  	s0 =	rddreg [dreg:$0x0];
	s2 =	stileid.u32  }
0x2e: {  	s1 =	rddreg [dreg:$0x1];
	p0 =	sne.s32 s2, $0x0  }
0x2f: {  	s3 =	rddreg [dreg:$0x2];
	[bflag:$0x3] =	sbarrier.arrive $0xFFFF;
	s2 =	simm.s32 @!p0 $0x1C02  }
0x30: {  	[timem:s3], [sflag:s2] =	dma.local @!p0 [hbm:s0], s1  }
0x31: {  	s0 =	simm.s32 @!p0 $0x2  }
0x32: {  	_ =	swait.ge @!p0 [sflag:s0], s1  }
0x33: {  	s1 =	ssub.s32 @!p0 $0x0, s1;
	[sflag:s0] =	ssyncset.done @!p0 $0x0  }
0x34: {  	[sflag:s0] =	ssyncadd.s32 @!p0 s1  }
0x35: {  	[bflag:$0x3] =	sbarrier.arrive $0xFFFF  }
0x36: {  	_ =	shalt  }

</sc_bundles>
